<compile_context>
chip_gen: v7x
topology: tpu7x:2x2x1
jax: 0.10.2.dev20260603
libtpu: 0.0.44.dev20260713+nightly
codegen_flags: <defaults>
</compile_context>

<pallas_src>
import functools

import jax
import jax.numpy as jnp
from jax import lax
from jax.experimental import pallas as pl
from jax.experimental.pallas import tpu as pltpu
from jax.experimental.pallas import tpu_sc as plsc

NC = 2
NS = 16
NW = NC * NS
CHUNK = 128
NCHUNK = 80
HALF = NCHUNK // 2
ROW_BLK = 2000


def _table_matmul_body(x_ref, w_ref, out_ref, *, R):
    x = x_ref[...]
    for r in range(R):
        out_ref[r] = jnp.dot(x, w_ref[r], preferred_element_type=jnp.float32)


def _prep_body(ei_ref, et_ref, fidx_ref, dst_ref, *, N, R, N_pad, n_pad_rows):
    src = ei_ref[0]
    dstv = ei_ref[1]
    fidx_real = et_ref[...] * N + src
    k = (lax.broadcasted_iota(jnp.int32, (n_pad_rows, 128), 0) * 128
         + lax.broadcasted_iota(jnp.int32, (n_pad_rows, 128), 1))
    fidx_pad = (k % R) * N + k
    dst_pad = N + k % (N_pad - N)
    fidx_ref[...] = jnp.concatenate([fidx_real, fidx_pad], axis=0)
    dst_ref[...] = jnp.concatenate([dstv, dst_pad], axis=0)


def _make_edge_kernel(NR, D, N_pad):
    rows = N_pad // NS
    mesh = plsc.VectorSubcoreMesh(core_axis_name="c", subcore_axis_name="s")

    @functools.partial(
        pl.kernel,
        out_type=jax.ShapeDtypeStruct((NC, N_pad, D), jnp.float32),
        mesh=mesh,
        scratch_types=[
            pltpu.VMEM((HALF, CHUNK), jnp.int32),
            pltpu.VMEM((HALF, CHUNK), jnp.int32),
            pltpu.VMEM((CHUNK, D), jnp.float32),
            pltpu.VMEM((CHUNK, D), jnp.float32),
            pltpu.VMEM_SHARED((N_pad, D), jnp.float32),
            pltpu.SemaphoreType.DMA,
            pltpu.SemaphoreType.DMA,
        ],
    )
    def edge_kernel(xw_hbm, fidx_hbm, dst_hbm, out_hbm,
                    fidx_v, dst_v, r0, r1, agg, sem0, sem1):
        c = lax.axis_index("c")
        s = lax.axis_index("s")
        wid = c * NS + s
        z0 = s * rows

        def zrow(i, carry):
            for kk in range(D // 16):
                r0[i, pl.ds(kk * 16, 16)] = jnp.zeros((16,), jnp.float32)
            return carry

        lax.fori_loop(0, CHUNK, zrow, 0)
        nfull = rows // CHUNK
        for t in range(nfull):
            pltpu.sync_copy(r0, agg.at[pl.ds(z0 + t * CHUNK, CHUNK)])
        rem = rows - nfull * CHUNK
        if rem:
            pltpu.sync_copy(r0.at[pl.ds(0, rem)],
                            agg.at[pl.ds(z0 + nfull * CHUNK, rem)])
        plsc.subcore_barrier()

        for half in range(NCHUNK // HALF):
            base = half * HALF
            pltpu.sync_copy(fidx_hbm.at[wid, pl.ds(base, HALF)], fidx_v)
            pltpu.sync_copy(dst_hbm.at[wid, pl.ds(base, HALF)], dst_v)

            pltpu.async_copy(xw_hbm.at[fidx_v.at[0]], r0, sem0)
            pltpu.async_copy(xw_hbm.at[fidx_v.at[1]], r1, sem1)

            def body(j, carry):
                c0 = 2 * j
                pltpu.make_async_copy(xw_hbm.at[fidx_v.at[c0]], r0, sem0).wait()
                pltpu.sync_copy(r0, agg.at[dst_v.at[c0]], add=True)
                pltpu.async_copy(xw_hbm.at[fidx_v.at[c0 + 2]], r0, sem0)
                pltpu.make_async_copy(
                    xw_hbm.at[fidx_v.at[c0 + 1]], r1, sem1).wait()
                pltpu.sync_copy(r1, agg.at[dst_v.at[c0 + 1]], add=True)
                pltpu.async_copy(xw_hbm.at[fidx_v.at[c0 + 3]], r1, sem1)
                return carry

            lax.fori_loop(0, HALF // 2 - 1, body, 0)
            last = HALF - 2
            pltpu.make_async_copy(xw_hbm.at[fidx_v.at[last]], r0, sem0).wait()
            pltpu.sync_copy(r0, agg.at[dst_v.at[last]], add=True)
            pltpu.make_async_copy(xw_hbm.at[fidx_v.at[last + 1]], r1, sem1).wait()
            pltpu.sync_copy(r1, agg.at[dst_v.at[last + 1]], add=True)

        plsc.subcore_barrier()
        pltpu.sync_copy(agg.at[pl.ds(z0, rows)], out_hbm.at[c, pl.ds(z0, rows)])

    return edge_kernel


def _tail_body(p0_ref, p1_ref, x_ref, h1_ref, h2_ref, lw_ref, wg_ref,
               wih_ref, whh_ref, rb_ref, gb_ref, bih_ref, bhh_ref,
               h_ref, gate_ref, *, D):
    h1 = h1_ref[...]
    h2 = h2_ref[...]
    spatial = (p0_ref[0] + p1_ref[0]
               + jnp.dot(x_ref[...], lw_ref[...],
                         preferred_element_type=jnp.float32)
               + rb_ref[...])
    wg = wg_ref[...]
    gate_lin = (jnp.dot(spatial, wg[:D], preferred_element_type=jnp.float32)
                + jnp.dot(h1, wg[D:2 * D], preferred_element_type=jnp.float32)
                + jnp.dot(h2, wg[2 * D:], preferred_element_type=jnp.float32)
                + gb_ref[...])
    gate = jax.nn.sigmoid(gate_lin)
    fused = gate * h1 + (1.0 - gate) * h2
    gi = jnp.dot(spatial, wih_ref[...],
                 preferred_element_type=jnp.float32) + bih_ref[...]
    gh = jnp.dot(fused, whh_ref[...],
                 preferred_element_type=jnp.float32) + bhh_ref[...]
    r = jax.nn.sigmoid(gi[:, :D] + gh[:, :D])
    z = jax.nn.sigmoid(gi[:, D:2 * D] + gh[:, D:2 * D])
    n = jnp.tanh(gi[:, 2 * D:] + r * gh[:, 2 * D:])
    h_t = (1.0 - z) * n + z * fused
    h_ref[...] = jnp.maximum(h_t, 0.0)
    gate_ref[...] = gate


def kernel(x, prev_h_t1, prev_h_t2, edge_index, etype, rel_weight,
           loop_weight, rgcn_bias, gate_W, gate_b, W_ih, W_hh, b_ih, b_hh):
    N, D = x.shape
    R = rel_weight.shape[0]
    E = etype.shape[0]
    N_pad = ((N + 1) + NS * 8 - 1) // (NS * 8) * (NS * 8)
    E_pad = NW * NCHUNK * CHUNK
    pad = E_pad - E

    n_blk = N // ROW_BLK
    xw = pl.pallas_call(
        functools.partial(_table_matmul_body, R=R),
        grid=(n_blk,),
        in_specs=[pl.BlockSpec((ROW_BLK, D), lambda i: (i, 0)),
                  pl.BlockSpec((R, D, D), lambda i: (0, 0, 0))],
        out_specs=pl.BlockSpec((R, ROW_BLK, D), lambda i: (0, i, 0)),
        out_shape=jax.ShapeDtypeStruct((R, N, D), jnp.float32),
    )(x, rel_weight)

    fidx, dst_p = pl.pallas_call(
        functools.partial(_prep_body, N=N, R=R, N_pad=N_pad,
                          n_pad_rows=pad // 128),
        out_shape=[jax.ShapeDtypeStruct((E_pad // 128, 128), jnp.int32),
                   jax.ShapeDtypeStruct((E_pad // 128, 128), jnp.int32)],
    )(edge_index.reshape(2, E // 128, 128), etype.reshape(E // 128, 128))

    edge_kernel = _make_edge_kernel(N * R, D, N_pad)
    partials = edge_kernel(
        xw.reshape(R * N, D),
        fidx.reshape(NW, NCHUNK, CHUNK),
        dst_p.reshape(NW, NCHUNK, CHUNK),
    )

    wg_t = gate_W.T
    wih_t = W_ih.T
    whh_t = W_hh.T
    row = lambda i: (i, 0)
    fixed2 = lambda i: (0, 0)
    h_t, gate = pl.pallas_call(
        functools.partial(_tail_body, D=D),
        grid=(n_blk,),
        in_specs=[
            pl.BlockSpec((1, ROW_BLK, D), lambda i: (0, i, 0)),
            pl.BlockSpec((1, ROW_BLK, D), lambda i: (1, i, 0)),
            pl.BlockSpec((ROW_BLK, D), row),
            pl.BlockSpec((ROW_BLK, D), row),
            pl.BlockSpec((ROW_BLK, D), row),
            pl.BlockSpec((D, D), fixed2),
            pl.BlockSpec((3 * D, D), fixed2),
            pl.BlockSpec((D, 3 * D), fixed2),
            pl.BlockSpec((D, 3 * D), fixed2),
            pl.BlockSpec((1, D), fixed2),
            pl.BlockSpec((1, D), fixed2),
            pl.BlockSpec((1, 3 * D), fixed2),
            pl.BlockSpec((1, 3 * D), fixed2),
        ],
        out_specs=[pl.BlockSpec((ROW_BLK, D), row),
                   pl.BlockSpec((ROW_BLK, D), row)],
        out_shape=[jax.ShapeDtypeStruct((N, D), jnp.float32),
                   jax.ShapeDtypeStruct((N, D), jnp.float32)],
    )(partials, partials, x, prev_h_t1, prev_h_t2, loop_weight, wg_t,
      wih_t, whh_t, rgcn_bias.reshape(1, D), gate_b.reshape(1, D),
      b_ih.reshape(1, 3 * D), b_hh.reshape(1, 3 * D))
    return (h_t, gate)

# --- scband reference (transcript-rebuilt; emitter-appended) ---
"""Pipeline reference for scband-mst-rgcn-layer-86423331930151 (READ-ONLY COPY).

The authoritative reference and input builder live on the scoring server;
editing this copy changes nothing except your own understanding.
"""

import jax, jax.numpy as jnp
import numpy as np

N = 10000
E = 320000
D = 128
R = 8

def setup_inputs(seed: int = 0):
    key = jax.random.key(seed)
    ks = jax.random.split(key, 14)
    x = jax.random.normal(ks[0], (N, D), dtype=jnp.float32)
    prev_h_t1 = jax.random.normal(ks[1], (N, D), dtype=jnp.float32)
    prev_h_t2 = jax.random.normal(ks[2], (N, D), dtype=jnp.float32)
    edge_index = jax.random.randint(ks[3], (2, E), 0, N, dtype=jnp.int32)
    etype = jax.random.randint(ks[4], (E,), 0, R, dtype=jnp.int32)
    s = 1.0 / np.sqrt(D)
    rel_weight = jax.random.uniform(ks[5], (R, D, D), jnp.float32, -s, s)
    loop_weight = jax.random.uniform(ks[6], (D, D), jnp.float32, -s, s)
    rgcn_bias = jnp.zeros((D,), jnp.float32)
    s3 = 1.0 / np.sqrt(3 * D)
    gate_W = jax.random.uniform(ks[7], (D, 3 * D), jnp.float32, -s3, s3)
    gate_b = jnp.zeros((D,), jnp.float32)
    W_ih = jax.random.uniform(ks[8], (3 * D, D), jnp.float32, -s, s)
    W_hh = jax.random.uniform(ks[9], (3 * D, D), jnp.float32, -s, s)
    b_ih = jax.random.uniform(ks[10], (3 * D,), jnp.float32, -s, s)
    b_hh = jax.random.uniform(ks[11], (3 * D,), jnp.float32, -s, s)
    return {"x": x, "prev_h_t1": prev_h_t1, "prev_h_t2": prev_h_t2,
            "edge_index": edge_index, "etype": etype,
            "rel_weight": rel_weight, "loop_weight": loop_weight, "rgcn_bias": rgcn_bias,
            "gate_W": gate_W, "gate_b": gate_b,
            "W_ih": W_ih, "W_hh": W_hh, "b_ih": b_ih, "b_hh": b_hh}

def reference(x, prev_h_t1, prev_h_t2, edge_index, etype, rel_weight, loop_weight,
              rgcn_bias, gate_W, gate_b, W_ih, W_hh, b_ih, b_hh):
    src = edge_index[0]
    dst = edge_index[1]
    # RelGraphConv: per-relation linear transform of source features, summed at dst
    xw = jnp.einsum('nd,rdo->nro', x, rel_weight)          # [N, R, D]
    msg = xw[src, etype]                                    # gather per-edge message [E, D]
    agg = jnp.zeros((x.shape[0], rel_weight.shape[-1]), jnp.float32).at[dst].add(msg)
    spatial_msg = agg + x @ loop_weight + rgcn_bias         # self-loop + bias
    # adaptive gate fusing short-term (t-1) and long-term (t-2) memory
    gate_input = jnp.concatenate([spatial_msg, prev_h_t1, prev_h_t2], axis=1)
    gate = jax.nn.sigmoid(gate_input @ gate_W.T + gate_b)
    fused_h = gate * prev_h_t1 + (1.0 - gate) * prev_h_t2
    # GRUCell(input=spatial_msg, hidden=fused_h)
    gi = spatial_msg @ W_ih.T + b_ih
    gh = fused_h @ W_hh.T + b_hh
    i_r, i_z, i_n = jnp.split(gi, 3, axis=1)
    h_r, h_z, h_n = jnp.split(gh, 3, axis=1)
    r = jax.nn.sigmoid(i_r + h_r)
    z = jax.nn.sigmoid(i_z + h_z)
    n = jnp.tanh(i_n + r * h_n)
    h_t = (1.0 - z) * n + z * fused_h
    h_t = jax.nn.relu(h_t)
    # dropout is identity in eval mode
    return (h_t, gate)

if __name__ == "__main__":
    import jax
    _d = setup_inputs()
    print(jax.jit(kernel)(*tuple(_d.values())))

</pallas_src>

<mosaic_0001>
#map = affine_map<(d0, d1) -> (0, 0)>
#map1 = affine_map<(d0, d1) -> (0, 0, 0)>
module attributes {stable_mosaic.version = 14 : i64} {
  func.func @edge_kernel(%arg0: i32, %arg1: i32, %arg2: memref<80000x128xf32, #tpu.memory_space<hbm>>, %arg3: memref<32x80x128xi32, #tpu.memory_space<hbm>>, %arg4: memref<32x80x128xi32, #tpu.memory_space<hbm>>, %arg5: memref<2x10112x128xf32, #tpu.memory_space<hbm>>, %arg6: memref<40x128xi32, #tpu.memory_space<vmem>>, %arg7: memref<40x128xi32, #tpu.memory_space<vmem>>, %arg8: memref<128x128xf32, #tpu.memory_space<vmem>>, %arg9: memref<128x128xf32, #tpu.memory_space<vmem>>, %arg10: memref<10112x128xf32, #tpu.memory_space<vmem_shared>>, %arg11: memref<!tpu.dma_semaphore, #tpu.memory_space<semaphore_mem>>, %arg12: memref<!tpu.dma_semaphore, #tpu.memory_space<semaphore_mem>>) attributes {dimension_semantics = [#tpu.dimension_semantics<core_parallel>, #tpu.dimension_semantics<subcore_parallel>], iteration_bounds = array<i64: 2, 16>, scalar_prefetch = 0 : i64, scratch_operands = 7 : i64, tpu.core_type = #tpu.core_type<sc_vector_subcore>, window_params = [{transform_indices = #map}, {transform_indices = #map1}, {transform_indices = #map1}, {transform_indices = #map1}]} {
    %mul3A = arith.constant 16 : i32
    %mul3A_0 = arith.muli %arg0, %mul3A : i32
    %add3A = arith.addi %mul3A_0, %arg1 : i32
    %mul3A_1 = arith.constant 632 : i32
    %mul3A_2 = arith.muli %arg1, %mul3A_1 : i32
    %scan3A = arith.constant 0 : i32
    %scan3A_3 = arith.constant 0 : i32
    %scan3A_4 = arith.constant 128 : i32
    %scan3A_5 = arith.addi %scan3A_3, %scan3A_4 : i32
    %scan3A_6 = arith.constant 1 : i32
    scf.for %scan3A_88 = %scan3A_3 to %scan3A_5 step %scan3A_6  : i32 {
      %broadcast_in_dim3A = arith.constant 0.000000e+00 : f32
      %broadcast_in_dim3A_89 = vector.broadcast %broadcast_in_dim3A : f32 to vector<16xf32>
      %swap3A = arith.index_cast %scan3A_88 : i32 to index
      %swap3A_90 = arith.constant 0 : index
      %swap3A_91 = tpu.vector_load %arg8[%swap3A, %swap3A_90] {strides = array<i32>} : memref<128x128xf32, #tpu.memory_space<vmem>>, vector<1x16xf32>,
      %swap3A_92 = vector.shape_cast %swap3A_91 : vector<1x16xf32> to vector<16xf32>
      %swap3A_93 = vector.shape_cast %broadcast_in_dim3A_89 : vector<16xf32> to vector<1x16xf32>
      tpu.vector_store %arg8[%swap3A, %swap3A_90], %swap3A_93 {strides = array<i32>} : memref<128x128xf32, #tpu.memory_space<vmem>>, vector<1x16xf32>,
      %broadcast_in_dim3A_94 = arith.constant 0.000000e+00 : f32
      %broadcast_in_dim3A_95 = vector.broadcast %broadcast_in_dim3A_94 : f32 to vector<16xf32>
      %swap3A_96 = arith.index_cast %scan3A_88 : i32 to index
      %swap3A_97 = arith.constant 16 : index
      %swap3A_98 = tpu.vector_load %arg8[%swap3A_96, %swap3A_97] {strides = array<i32>} : memref<128x128xf32, #tpu.memory_space<vmem>>, vector<1x16xf32>,
      %swap3A_99 = vector.shape_cast %swap3A_98 : vector<1x16xf32> to vector<16xf32>
      %swap3A_100 = vector.shape_cast %broadcast_in_dim3A_95 : vector<16xf32> to vector<1x16xf32>
      tpu.vector_store %arg8[%swap3A_96, %swap3A_97], %swap3A_100 {strides = array<i32>} : memref<128x128xf32, #tpu.memory_space<vmem>>, vector<1x16xf32>,
      %broadcast_in_dim3A_101 = arith.constant 0.000000e+00 : f32
      %broadcast_in_dim3A_102 = vector.broadcast %broadcast_in_dim3A_101 : f32 to vector<16xf32>
      %swap3A_103 = arith.index_cast %scan3A_88 : i32 to index
      %swap3A_104 = arith.constant 32 : index
      %swap3A_105 = tpu.vector_load %arg8[%swap3A_103, %swap3A_104] {strides = array<i32>} : memref<128x128xf32, #tpu.memory_space<vmem>>, vector<1x16xf32>,
      %swap3A_106 = vector.shape_cast %swap3A_105 : vector<1x16xf32> to vector<16xf32>
      %swap3A_107 = vector.shape_cast %broadcast_in_dim3A_102 : vector<16xf32> to vector<1x16xf32>
      tpu.vector_store %arg8[%swap3A_103, %swap3A_104], %swap3A_107 {strides = array<i32>} : memref<128x128xf32, #tpu.memory_space<vmem>>, vector<1x16xf32>,
      %broadcast_in_dim3A_108 = arith.constant 0.000000e+00 : f32
      %broadcast_in_dim3A_109 = vector.broadcast %broadcast_in_dim3A_108 : f32 to vector<16xf32>
      %swap3A_110 = arith.index_cast %scan3A_88 : i32 to index
      %swap3A_111 = arith.constant 48 : index
      %swap3A_112 = tpu.vector_load %arg8[%swap3A_110, %swap3A_111] {strides = array<i32>} : memref<128x128xf32, #tpu.memory_space<vmem>>, vector<1x16xf32>,
      %swap3A_113 = vector.shape_cast %swap3A_112 : vector<1x16xf32> to vector<16xf32>
      %swap3A_114 = vector.shape_cast %broadcast_in_dim3A_109 : vector<16xf32> to vector<1x16xf32>
      tpu.vector_store %arg8[%swap3A_110, %swap3A_111], %swap3A_114 {strides = array<i32>} : memref<128x128xf32, #tpu.memory_space<vmem>>, vector<1x16xf32>,
      %broadcast_in_dim3A_115 = arith.constant 0.000000e+00 : f32
      %broadcast_in_dim3A_116 = vector.broadcast %broadcast_in_dim3A_115 : f32 to vector<16xf32>
      %swap3A_117 = arith.index_cast %scan3A_88 : i32 to index
      %swap3A_118 = arith.constant 64 : index
      %swap3A_119 = tpu.vector_load %arg8[%swap3A_117, %swap3A_118] {strides = array<i32>} : memref<128x128xf32, #tpu.memory_space<vmem>>, vector<1x16xf32>,
      %swap3A_120 = vector.shape_cast %swap3A_119 : vector<1x16xf32> to vector<16xf32>
      %swap3A_121 = vector.shape_cast %broadcast_in_dim3A_116 : vector<16xf32> to vector<1x16xf32>
      tpu.vector_store %arg8[%swap3A_117, %swap3A_118], %swap3A_121 {strides = array<i32>} : memref<128x128xf32, #tpu.memory_space<vmem>>, vector<1x16xf32>,
      %broadcast_in_dim3A_122 = arith.constant 0.000000e+00 : f32
      %broadcast_in_dim3A_123 = vector.broadcast %broadcast_in_dim3A_122 : f32 to vector<16xf32>
      %swap3A_124 = arith.index_cast %scan3A_88 : i32 to index
      %swap3A_125 = arith.constant 80 : index
      %swap3A_126 = tpu.vector_load %arg8[%swap3A_124, %swap3A_125] {strides = array<i32>} : memref<128x128xf32, #tpu.memory_space<vmem>>, vector<1x16xf32>,
      %swap3A_127 = vector.shape_cast %swap3A_126 : vector<1x16xf32> to vector<16xf32>
      %swap3A_128 = vector.shape_cast %broadcast_in_dim3A_123 : vector<16xf32> to vector<1x16xf32>
      tpu.vector_store %arg8[%swap3A_124, %swap3A_125], %swap3A_128 {strides = array<i32>} : memref<128x128xf32, #tpu.memory_space<vmem>>, vector<1x16xf32>,
      %broadcast_in_dim3A_129 = arith.constant 0.000000e+00 : f32
      %broadcast_in_dim3A_130 = vector.broadcast %broadcast_in_dim3A_129 : f32 to vector<16xf32>
      %swap3A_131 = arith.index_cast %scan3A_88 : i32 to index
      %swap3A_132 = arith.constant 96 : index
      %swap3A_133 = tpu.vector_load %arg8[%swap3A_131, %swap3A_132] {strides = array<i32>} : memref<128x128xf32, #tpu.memory_space<vmem>>, vector<1x16xf32>,
      %swap3A_134 = vector.shape_cast %swap3A_133 : vector<1x16xf32> to vector<16xf32>
      %swap3A_135 = vector.shape_cast %broadcast_in_dim3A_130 : vector<16xf32> to vector<1x16xf32>
      tpu.vector_store %arg8[%swap3A_131, %swap3A_132], %swap3A_135 {strides = array<i32>} : memref<128x128xf32, #tpu.memory_space<vmem>>, vector<1x16xf32>,
      %broadcast_in_dim3A_136 = arith.constant 0.000000e+00 : f32
      %broadcast_in_dim3A_137 = vector.broadcast %broadcast_in_dim3A_136 : f32 to vector<16xf32>
      %swap3A_138 = arith.index_cast %scan3A_88 : i32 to index
      %swap3A_139 = arith.constant 112 : index
      %swap3A_140 = tpu.vector_load %arg8[%swap3A_138, %swap3A_139] {strides = array<i32>} : memref<128x128xf32, #tpu.memory_space<vmem>>, vector<1x16xf32>,
      %swap3A_141 = vector.shape_cast %swap3A_140 : vector<1x16xf32> to vector<16xf32>
      %swap3A_142 = vector.shape_cast %broadcast_in_dim3A_137 : vector<16xf32> to vector<1x16xf32>
      tpu.vector_store %arg8[%swap3A_138, %swap3A_139], %swap3A_142 {strides = array<i32>} : memref<128x128xf32, #tpu.memory_space<vmem>>, vector<1x16xf32>,
    }
    %scan3A_7 = arith.constant 128 : i32
    %add3A_8 = arith.constant 0 : i32
    %add3A_9 = arith.addi %mul3A_2, %add3A_8 : i32
    "tpu.region"() ({
      %run_scoped3A_88 = tpu.sem_alloc : memref<!tpu.dma_semaphore, #tpu.memory_space<semaphore_mem>>
      %dma_start3A_89 = arith.constant 0 : i32
      %dma_start3A_90 = tpu.memref_slice %arg10[%add3A_9, %dma_start3A_89] : memref<10112x128xf32, #tpu.memory_space<vmem_shared>> -> memref<128x128xf32, #tpu.memory_space<vmem_shared>>
      %dma_start3A_91 = arith.constant 0 : i32
      %dma_start3A_92 = tpu.memref_slice %arg10[%add3A_9, %dma_start3A_91] : memref<10112x128xf32, #tpu.memory_space<vmem_shared>> -> memref<128x128xf32, #tpu.memory_space<vmem_shared>>
      tpu.enqueue_dma source(%arg8 : memref<128x128xf32, #tpu.memory_space<vmem>>) target(%dma_start3A_92 : memref<128x128xf32, #tpu.memory_space<vmem_shared>>) target_semaphore(%run_scoped3A_88 : memref<!tpu.dma_semaphore, #tpu.memory_space<semaphore_mem>>)
      %dma_wait3A_93 = arith.constant 0 : i32
      %dma_wait3A_94 = tpu.memref_slice %arg10[%add3A_9, %dma_wait3A_93] : memref<10112x128xf32, #tpu.memory_space<vmem_shared>> -> memref<128x128xf32, #tpu.memory_space<vmem_shared>>
      %dma_wait3A_95 = arith.constant 0 : i32
      %dma_wait3A_96 = tpu.memref_slice %arg10[%add3A_9, %dma_wait3A_95] : memref<10112x128xf32, #tpu.memory_space<vmem_shared>> -> memref<128x128xf32, #tpu.memory_space<vmem_shared>>
      tpu.wait_dma2 semaphore(%run_scoped3A_88 : memref<!tpu.dma_semaphore, #tpu.memory_space<semaphore_mem>>) src(%arg8 : memref<128x128xf32, #tpu.memory_space<vmem>>) dst(%dma_wait3A_96 : memref<128x128xf32, #tpu.memory_space<vmem_shared>>)
      tpu.yield
    }) : () -> ()
    %add3A_10 = arith.constant 128 : i32
    %add3A_11 = arith.addi %mul3A_2, %add3A_10 : i32
    "tpu.region"() ({
      %run_scoped3A_88 = tpu.sem_alloc : memref<!tpu.dma_semaphore, #tpu.memory_space<semaphore_mem>>
      %dma_start3A_89 = arith.constant 0 : i32
      %dma_start3A_90 = tpu.memref_slice %arg10[%add3A_11, %dma_start3A_89] : memref<10112x128xf32, #tpu.memory_space<vmem_shared>> -> memref<128x128xf32, #tpu.memory_space<vmem_shared>>
      %dma_start3A_91 = arith.constant 0 : i32
      %dma_start3A_92 = tpu.memref_slice %arg10[%add3A_11, %dma_start3A_91] : memref<10112x128xf32, #tpu.memory_space<vmem_shared>> -> memref<128x128xf32, #tpu.memory_space<vmem_shared>>
      tpu.enqueue_dma source(%arg8 : memref<128x128xf32, #tpu.memory_space<vmem>>) target(%dma_start3A_92 : memref<128x128xf32, #tpu.memory_space<vmem_shared>>) target_semaphore(%run_scoped3A_88 : memref<!tpu.dma_semaphore, #tpu.memory_space<semaphore_mem>>)
      %dma_wait3A_93 = arith.constant 0 : i32
      %dma_wait3A_94 = tpu.memref_slice %arg10[%add3A_11, %dma_wait3A_93] : memref<10112x128xf32, #tpu.memory_space<vmem_shared>> -> memref<128x128xf32, #tpu.memory_space<vmem_shared>>
      %dma_wait3A_95 = arith.constant 0 : i32
      %dma_wait3A_96 = tpu.memref_slice %arg10[%add3A_11, %dma_wait3A_95] : memref<10112x128xf32, #tpu.memory_space<vmem_shared>> -> memref<128x128xf32, #tpu.memory_space<vmem_shared>>
      tpu.wait_dma2 semaphore(%run_scoped3A_88 : memref<!tpu.dma_semaphore, #tpu.memory_space<semaphore_mem>>) src(%arg8 : memref<128x128xf32, #tpu.memory_space<vmem>>) dst(%dma_wait3A_96 : memref<128x128xf32, #tpu.memory_space<vmem_shared>>)
      tpu.yield
    }) : () -> ()
    %add3A_12 = arith.constant 256 : i32
    %add3A_13 = arith.addi %mul3A_2, %add3A_12 : i32
    "tpu.region"() ({
      %run_scoped3A_88 = tpu.sem_alloc : memref<!tpu.dma_semaphore, #tpu.memory_space<semaphore_mem>>
      %dma_start3A_89 = arith.constant 0 : i32
      %dma_start3A_90 = tpu.memref_slice %arg10[%add3A_13, %dma_start3A_89] : memref<10112x128xf32, #tpu.memory_space<vmem_shared>> -> memref<128x128xf32, #tpu.memory_space<vmem_shared>>
      %dma_start3A_91 = arith.constant 0 : i32
      %dma_start3A_92 = tpu.memref_slice %arg10[%add3A_13, %dma_start3A_91] : memref<10112x128xf32, #tpu.memory_space<vmem_shared>> -> memref<128x128xf32, #tpu.memory_space<vmem_shared>>
      tpu.enqueue_dma source(%arg8 : memref<128x128xf32, #tpu.memory_space<vmem>>) target(%dma_start3A_92 : memref<128x128xf32, #tpu.memory_space<vmem_shared>>) target_semaphore(%run_scoped3A_88 : memref<!tpu.dma_semaphore, #tpu.memory_space<semaphore_mem>>)
      %dma_wait3A_93 = arith.constant 0 : i32
      %dma_wait3A_94 = tpu.memref_slice %arg10[%add3A_13, %dma_wait3A_93] : memref<10112x128xf32, #tpu.memory_space<vmem_shared>> -> memref<128x128xf32, #tpu.memory_space<vmem_shared>>
      %dma_wait3A_95 = arith.constant 0 : i32
      %dma_wait3A_96 = tpu.memref_slice %arg10[%add3A_13, %dma_wait3A_95] : memref<10112x128xf32, #tpu.memory_space<vmem_shared>> -> memref<128x128xf32, #tpu.memory_space<vmem_shared>>
      tpu.wait_dma2 semaphore(%run_scoped3A_88 : memref<!tpu.dma_semaphore, #tpu.memory_space<semaphore_mem>>) src(%arg8 : memref<128x128xf32, #tpu.memory_space<vmem>>) dst(%dma_wait3A_96 : memref<128x128xf32, #tpu.memory_space<vmem_shared>>)
      tpu.yield
    }) : () -> ()
    %add3A_14 = arith.constant 384 : i32
    %add3A_15 = arith.addi %mul3A_2, %add3A_14 : i32
    "tpu.region"() ({
      %run_scoped3A_88 = tpu.sem_alloc : memref<!tpu.dma_semaphore, #tpu.memory_space<semaphore_mem>>
      %dma_start3A_89 = arith.constant 0 : i32
      %dma_start3A_90 = tpu.memref_slice %arg10[%add3A_15, %dma_start3A_89] : memref<10112x128xf32, #tpu.memory_space<vmem_shared>> -> memref<128x128xf32, #tpu.memory_space<vmem_shared>>
      %dma_start3A_91 = arith.constant 0 : i32
      %dma_start3A_92 = tpu.memref_slice %arg10[%add3A_15, %dma_start3A_91] : memref<10112x128xf32, #tpu.memory_space<vmem_shared>> -> memref<128x128xf32, #tpu.memory_space<vmem_shared>>
      tpu.enqueue_dma source(%arg8 : memref<128x128xf32, #tpu.memory_space<vmem>>) target(%dma_start3A_92 : memref<128x128xf32, #tpu.memory_space<vmem_shared>>) target_semaphore(%run_scoped3A_88 : memref<!tpu.dma_semaphore, #tpu.memory_space<semaphore_mem>>)
      %dma_wait3A_93 = arith.constant 0 : i32
      %dma_wait3A_94 = tpu.memref_slice %arg10[%add3A_15, %dma_wait3A_93] : memref<10112x128xf32, #tpu.memory_space<vmem_shared>> -> memref<128x128xf32, #tpu.memory_space<vmem_shared>>
      %dma_wait3A_95 = arith.constant 0 : i32
      %dma_wait3A_96 = tpu.memref_slice %arg10[%add3A_15, %dma_wait3A_95] : memref<10112x128xf32, #tpu.memory_space<vmem_shared>> -> memref<128x128xf32, #tpu.memory_space<vmem_shared>>
      tpu.wait_dma2 semaphore(%run_scoped3A_88 : memref<!tpu.dma_semaphore, #tpu.memory_space<semaphore_mem>>) src(%arg8 : memref<128x128xf32, #tpu.memory_space<vmem>>) dst(%dma_wait3A_96 : memref<128x128xf32, #tpu.memory_space<vmem_shared>>)
      tpu.yield
    }) : () -> ()
    %add3A_16 = arith.constant 512 : i32
    %add3A_17 = arith.addi %mul3A_2, %add3A_16 : i32
    "tpu.region"() ({
      %run_scoped3A_88 = tpu.sem_alloc : memref<!tpu.dma_semaphore, #tpu.memory_space<semaphore_mem>>
      %dma_start3A_89 = arith.constant 0 : i32
      %dma_start3A_90 = arith.constant 0 : i32
      %dma_start3A_91 = tpu.memref_slice %arg8[%dma_start3A_89, %dma_start3A_90] : memref<128x128xf32, #tpu.memory_space<vmem>> -> memref<120x128xf32, #tpu.memory_space<vmem>>
      %dma_start3A_92 = arith.constant 0 : i32
      %dma_start3A_93 = tpu.memref_slice %arg10[%add3A_17, %dma_start3A_92] : memref<10112x128xf32, #tpu.memory_space<vmem_shared>> -> memref<120x128xf32, #tpu.memory_space<vmem_shared>>
      %dma_start3A_94 = arith.constant 0 : i32
      %dma_start3A_95 = tpu.memref_slice %arg10[%add3A_17, %dma_start3A_94] : memref<10112x128xf32, #tpu.memory_space<vmem_shared>> -> memref<120x128xf32, #tpu.memory_space<vmem_shared>>
      %dma_start3A_96 = arith.constant 0 : i32
      %dma_start3A_97 = arith.constant 0 : i32
      %dma_start3A_98 = tpu.memref_slice %arg8[%dma_start3A_96, %dma_start3A_97] : memref<128x128xf32, #tpu.memory_space<vmem>> -> memref<120x128xf32, #tpu.memory_space<vmem>>
      tpu.enqueue_dma source(%dma_start3A_98 : memref<120x128xf32, #tpu.memory_space<vmem>>) target(%dma_start3A_95 : memref<120x128xf32, #tpu.memory_space<vmem_shared>>) target_semaphore(%run_scoped3A_88 : memref<!tpu.dma_semaphore, #tpu.memory_space<semaphore_mem>>)
      %dma_wait3A_99 = arith.constant 0 : i32
      %dma_wait3A_100 = arith.constant 0 : i32
      %dma_wait3A_101 = tpu.memref_slice %arg8[%dma_wait3A_99, %dma_wait3A_100] : memref<128x128xf32, #tpu.memory_space<vmem>> -> memref<120x128xf32, #tpu.memory_space<vmem>>
      %dma_wait3A_102 = arith.constant 0 : i32
      %dma_wait3A_103 = tpu.memref_slice %arg10[%add3A_17, %dma_wait3A_102] : memref<10112x128xf32, #tpu.memory_space<vmem_shared>> -> memref<120x128xf32, #tpu.memory_space<vmem_shared>>
      %dma_wait3A_104 = arith.constant 0 : i32
      %dma_wait3A_105 = tpu.memref_slice %arg10[%add3A_17, %dma_wait3A_104] : memref<10112x128xf32, #tpu.memory_space<vmem_shared>> -> memref<120x128xf32, #tpu.memory_space<vmem_shared>>
      %dma_wait3A_106 = arith.constant 0 : i32
      %dma_wait3A_107 = arith.constant 0 : i32
      %dma_wait3A_108 = tpu.memref_slice %arg8[%dma_wait3A_106, %dma_wait3A_107] : memref<128x128xf32, #tpu.memory_space<vmem>> -> memref<120x128xf32, #tpu.memory_space<vmem>>
      tpu.wait_dma2 semaphore(%run_scoped3A_88 : memref<!tpu.dma_semaphore, #tpu.memory_space<semaphore_mem>>) src(%dma_wait3A_108 : memref<120x128xf32, #tpu.memory_space<vmem>>) dst(%dma_wait3A_105 : memref<120x128xf32, #tpu.memory_space<vmem_shared>>)
      tpu.yield
    }) : () -> ()
    %barrier3A = arith.constant 0 : index
    tpu.barrier barrier_id(%barrier3A)
    "tpu.region"() ({
      %run_scoped3A_88 = tpu.sem_alloc : memref<!tpu.dma_semaphore, #tpu.memory_space<semaphore_mem>>
      %dma_start3A_89 = arith.constant 0 : i32
      %dma_start3A_90 = arith.constant 0 : i32
      %dma_start3A_91 = tpu.memref_slice %arg3[%add3A, %dma_start3A_89, %dma_start3A_90] : memref<32x80x128xi32, #tpu.memory_space<hbm>> -> memref<1x40x128xi32, #tpu.memory_space<hbm>>
      %dma_start3A_92 = tpu.memref_squeeze %dma_start3A_91 : memref<1x40x128xi32, #tpu.memory_space<hbm>> -> memref<40x128xi32, #tpu.memory_space<hbm>>
      %dma_start3A_93 = arith.constant 0 : i32
      %dma_start3A_94 = arith.constant 0 : i32
      %dma_start3A_95 = tpu.memref_slice %arg3[%add3A, %dma_start3A_93, %dma_start3A_94] : memref<32x80x128xi32, #tpu.memory_space<hbm>> -> memref<1x40x128xi32, #tpu.memory_space<hbm>>
      %dma_start3A_96 = tpu.memref_squeeze %dma_start3A_95 : memref<1x40x128xi32, #tpu.memory_space<hbm>> -> memref<40x128xi32, #tpu.memory_space<hbm>>
      tpu.enqueue_dma source(%dma_start3A_96 : memref<40x128xi32, #tpu.memory_space<hbm>>) target(%arg6 : memref<40x128xi32, #tpu.memory_space<vmem>>) target_semaphore(%run_scoped3A_88 : memref<!tpu.dma_semaphore, #tpu.memory_space<semaphore_mem>>)
      %dma_wait3A_97 = arith.constant 0 : i32
      %dma_wait3A_98 = arith.constant 0 : i32
      %dma_wait3A_99 = tpu.memref_slice %arg3[%add3A, %dma_wait3A_97, %dma_wait3A_98] : memref<32x80x128xi32, #tpu.memory_space<hbm>> -> memref<1x40x128xi32, #tpu.memory_space<hbm>>
      %dma_wait3A_100 = tpu.memref_squeeze %dma_wait3A_99 : memref<1x40x128xi32, #tpu.memory_space<hbm>> -> memref<40x128xi32, #tpu.memory_space<hbm>>
      %dma_wait3A_101 = arith.constant 0 : i32
      %dma_wait3A_102 = arith.constant 0 : i32
      %dma_wait3A_103 = tpu.memref_slice %arg3[%add3A, %dma_wait3A_101, %dma_wait3A_102] : memref<32x80x128xi32, #tpu.memory_space<hbm>> -> memref<1x40x128xi32, #tpu.memory_space<hbm>>
      %dma_wait3A_104 = tpu.memref_squeeze %dma_wait3A_103 : memref<1x40x128xi32, #tpu.memory_space<hbm>> -> memref<40x128xi32, #tpu.memory_space<hbm>>
      tpu.wait_dma2 semaphore(%run_scoped3A_88 : memref<!tpu.dma_semaphore, #tpu.memory_space<semaphore_mem>>) src(%dma_wait3A_104 : memref<40x128xi32, #tpu.memory_space<hbm>>) dst(%arg6 : memref<40x128xi32, #tpu.memory_space<vmem>>)
      tpu.yield
    }) : () -> ()
    "tpu.region"() ({
      %run_scoped3A_88 = tpu.sem_alloc : memref<!tpu.dma_semaphore, #tpu.memory_space<semaphore_mem>>
      %dma_start3A_89 = arith.constant 0 : i32
      %dma_start3A_90 = arith.constant 0 : i32
      %dma_start3A_91 = tpu.memref_slice %arg4[%add3A, %dma_start3A_89, %dma_start3A_90] : memref<32x80x128xi32, #tpu.memory_space<hbm>> -> memref<1x40x128xi32, #tpu.memory_space<hbm>>
      %dma_start3A_92 = tpu.memref_squeeze %dma_start3A_91 : memref<1x40x128xi32, #tpu.memory_space<hbm>> -> memref<40x128xi32, #tpu.memory_space<hbm>>
      %dma_start3A_93 = arith.constant 0 : i32
      %dma_start3A_94 = arith.constant 0 : i32
      %dma_start3A_95 = tpu.memref_slice %arg4[%add3A, %dma_start3A_93, %dma_start3A_94] : memref<32x80x128xi32, #tpu.memory_space<hbm>> -> memref<1x40x128xi32, #tpu.memory_space<hbm>>
      %dma_start3A_96 = tpu.memref_squeeze %dma_start3A_95 : memref<1x40x128xi32, #tpu.memory_space<hbm>> -> memref<40x128xi32, #tpu.memory_space<hbm>>
      tpu.enqueue_dma source(%dma_start3A_96 : memref<40x128xi32, #tpu.memory_space<hbm>>) target(%arg7 : memref<40x128xi32, #tpu.memory_space<vmem>>) target_semaphore(%run_scoped3A_88 : memref<!tpu.dma_semaphore, #tpu.memory_space<semaphore_mem>>)
      %dma_wait3A_97 = arith.constant 0 : i32
      %dma_wait3A_98 = arith.constant 0 : i32
      %dma_wait3A_99 = tpu.memref_slice %arg4[%add3A, %dma_wait3A_97, %dma_wait3A_98] : memref<32x80x128xi32, #tpu.memory_space<hbm>> -> memref<1x40x128xi32, #tpu.memory_space<hbm>>
      %dma_wait3A_100 = tpu.memref_squeeze %dma_wait3A_99 : memref<1x40x128xi32, #tpu.memory_space<hbm>> -> memref<40x128xi32, #tpu.memory_space<hbm>>
      %dma_wait3A_101 = arith.constant 0 : i32
      %dma_wait3A_102 = arith.constant 0 : i32
      %dma_wait3A_103 = tpu.memref_slice %arg4[%add3A, %dma_wait3A_101, %dma_wait3A_102] : memref<32x80x128xi32, #tpu.memory_space<hbm>> -> memref<1x40x128xi32, #tpu.memory_space<hbm>>
      %dma_wait3A_104 = tpu.memref_squeeze %dma_wait3A_103 : memref<1x40x128xi32, #tpu.memory_space<hbm>> -> memref<40x128xi32, #tpu.memory_space<hbm>>
      tpu.wait_dma2 semaphore(%run_scoped3A_88 : memref<!tpu.dma_semaphore, #tpu.memory_space<semaphore_mem>>) src(%dma_wait3A_104 : memref<40x128xi32, #tpu.memory_space<hbm>>) dst(%arg7 : memref<40x128xi32, #tpu.memory_space<vmem>>)
      tpu.yield
    }) : () -> ()
    %dma_start3A = arith.constant 0 : i32
    %dma_start3A_18 = arith.constant 0 : i32
    %dma_start3A_19 = tpu.memref_slice %arg6[%dma_start3A, %dma_start3A_18] : memref<40x128xi32, #tpu.memory_space<vmem>> -> memref<1x128xi32, #tpu.memory_space<vmem>>
    %dma_start3A_20 = tpu.memref_squeeze %dma_start3A_19 : memref<1x128xi32, #tpu.memory_space<vmem>> -> memref<128xi32, #tpu.memory_space<vmem>>
    %dma_start3A_21 = arith.constant 0 : i32
    %dma_start3A_22 = arith.constant 0 : i32
    %dma_start3A_23 = tpu.memref_slice %arg2[%dma_start3A_21, %dma_start3A_22] : memref<80000x128xf32, #tpu.memory_space<hbm>> -> memref<80000x128xf32, #tpu.memory_space<hbm>>
    tpu.enqueue_indirect_dma source(%dma_start3A_23 : memref<80000x128xf32, #tpu.memory_space<hbm>>) target(%arg8 : memref<128x128xf32, #tpu.memory_space<vmem>>) offsets(%dma_start3A_20 : memref<128xi32, #tpu.memory_space<vmem>>) semaphore(%arg11 : memref<!tpu.dma_semaphore, #tpu.memory_space<semaphore_mem>>)
    %dma_start3A_24 = arith.constant 1 : i32
    %dma_start3A_25 = arith.constant 0 : i32
    %dma_start3A_26 = tpu.memref_slice %arg6[%dma_start3A_24, %dma_start3A_25] : memref<40x128xi32, #tpu.memory_space<vmem>> -> memref<1x128xi32, #tpu.memory_space<vmem>>
    %dma_start3A_27 = tpu.memref_squeeze %dma_start3A_26 : memref<1x128xi32, #tpu.memory_space<vmem>> -> memref<128xi32, #tpu.memory_space<vmem>>
    %dma_start3A_28 = arith.constant 0 : i32
    %dma_start3A_29 = arith.constant 0 : i32
    %dma_start3A_30 = tpu.memref_slice %arg2[%dma_start3A_28, %dma_start3A_29] : memref<80000x128xf32, #tpu.memory_space<hbm>> -> memref<80000x128xf32, #tpu.memory_space<hbm>>
    tpu.enqueue_indirect_dma source(%dma_start3A_30 : memref<80000x128xf32, #tpu.memory_space<hbm>>) target(%arg9 : memref<128x128xf32, #tpu.memory_space<vmem>>) offsets(%dma_start3A_27 : memref<128xi32, #tpu.memory_space<vmem>>) semaphore(%arg12 : memref<!tpu.dma_semaphore, #tpu.memory_space<semaphore_mem>>)
    %scan3A_31 = arith.constant 0 : i32
    %scan3A_32 = arith.constant 0 : i32
    %scan3A_33 = arith.constant 19 : i32
    %scan3A_34 = arith.addi %scan3A_32, %scan3A_33 : i32
    %scan3A_35 = arith.constant 1 : i32
    scf.for %scan3A_88 = %scan3A_32 to %scan3A_34 step %scan3A_35  : i32 {
      %mul3A_89 = arith.constant 2 : i32
      %mul3A_90 = arith.muli %mul3A_89, %scan3A_88 : i32
      %dma_wait3A_91 = arith.constant 0 : i32
      %dma_wait3A_92 = tpu.memref_slice %arg6[%mul3A_90, %dma_wait3A_91] : memref<40x128xi32, #tpu.memory_space<vmem>> -> memref<1x128xi32, #tpu.memory_space<vmem>>
      %dma_wait3A_93 = tpu.memref_squeeze %dma_wait3A_92 : memref<1x128xi32, #tpu.memory_space<vmem>> -> memref<128xi32, #tpu.memory_space<vmem>>
      %dma_wait3A_94 = arith.constant 0 : i32
      %dma_wait3A_95 = arith.constant 0 : i32
      %dma_wait3A_96 = tpu.memref_slice %arg2[%dma_wait3A_94, %dma_wait3A_95] : memref<80000x128xf32, #tpu.memory_space<hbm>> -> memref<80000x128xf32, #tpu.memory_space<hbm>>
      tpu.wait_indirect_dma semaphore(%arg11 : memref<!tpu.dma_semaphore, #tpu.memory_space<semaphore_mem>>) src(%dma_wait3A_96 : memref<80000x128xf32, #tpu.memory_space<hbm>>) dst(%arg8 : memref<128x128xf32, #tpu.memory_space<vmem>>)
      "tpu.region"() ({
        %run_scoped3A_123 = tpu.sem_alloc : memref<!tpu.dma_semaphore, #tpu.memory_space<semaphore_mem>>
        %dma_start3A_124 = arith.constant 0 : i32
        %dma_start3A_125 = tpu.memref_slice %arg7[%mul3A_90, %dma_start3A_124] : memref<40x128xi32, #tpu.memory_space<vmem>> -> memref<1x128xi32, #tpu.memory_space<vmem>>
        %dma_start3A_126 = tpu.memref_squeeze %dma_start3A_125 : memref<1x128xi32, #tpu.memory_space<vmem>> -> memref<128xi32, #tpu.memory_space<vmem>>
        %dma_start3A_127 = arith.constant 0 : i32
        %dma_start3A_128 = arith.constant 0 : i32
        %dma_start3A_129 = tpu.memref_slice %arg10[%dma_start3A_127, %dma_start3A_128] : memref<10112x128xf32, #tpu.memory_space<vmem_shared>> -> memref<10112x128xf32, #tpu.memory_space<vmem_shared>>
        tpu.enqueue_indirect_dma source(%arg8 : memref<128x128xf32, #tpu.memory_space<vmem>>) target(%dma_start3A_129 : memref<10112x128xf32, #tpu.memory_space<vmem_shared>>) offsets(%dma_start3A_126 : memref<128xi32, #tpu.memory_space<vmem>>) semaphore(%run_scoped3A_123 : memref<!tpu.dma_semaphore, #tpu.memory_space<semaphore_mem>>) {add = true}
        %dma_wait3A_130 = arith.constant 0 : i32
        %dma_wait3A_131 = tpu.memref_slice %arg7[%mul3A_90, %dma_wait3A_130] : memref<40x128xi32, #tpu.memory_space<vmem>> -> memref<1x128xi32, #tpu.memory_space<vmem>>
        %dma_wait3A_132 = tpu.memref_squeeze %dma_wait3A_131 : memref<1x128xi32, #tpu.memory_space<vmem>> -> memref<128xi32, #tpu.memory_space<vmem>>
        %dma_wait3A_133 = arith.constant 0 : i32
        %dma_wait3A_134 = arith.constant 0 : i32
        %dma_wait3A_135 = tpu.memref_slice %arg10[%dma_wait3A_133, %dma_wait3A_134] : memref<10112x128xf32, #tpu.memory_space<vmem_shared>> -> memref<10112x128xf32, #tpu.memory_space<vmem_shared>>
        tpu.wait_indirect_dma semaphore(%run_scoped3A_123 : memref<!tpu.dma_semaphore, #tpu.memory_space<semaphore_mem>>) src(%arg8 : memref<128x128xf32, #tpu.memory_space<vmem>>) dst(%dma_wait3A_135 : memref<10112x128xf32, #tpu.memory_space<vmem_shared>>)
        tpu.yield
      }) : () -> ()
      %add3A_97 = arith.constant 2 : i32
      %add3A_98 = arith.addi %mul3A_90, %add3A_97 : i32
      %dma_start3A_99 = arith.constant 0 : i32
      %dma_start3A_100 = tpu.memref_slice %arg6[%add3A_98, %dma_start3A_99] : memref<40x128xi32, #tpu.memory_space<vmem>> -> memref<1x128xi32, #tpu.memory_space<vmem>>
      %dma_start3A_101 = tpu.memref_squeeze %dma_start3A_100 : memref<1x128xi32, #tpu.memory_space<vmem>> -> memref<128xi32, #tpu.memory_space<vmem>>
      %dma_start3A_102 = arith.constant 0 : i32
      %dma_start3A_103 = arith.constant 0 : i32
      %dma_start3A_104 = tpu.memref_slice %arg2[%dma_start3A_102, %dma_start3A_103] : memref<80000x128xf32, #tpu.memory_space<hbm>> -> memref<80000x128xf32, #tpu.memory_space<hbm>>
      tpu.enqueue_indirect_dma source(%dma_start3A_104 : memref<80000x128xf32, #tpu.memory_space<hbm>>) target(%arg8 : memref<128x128xf32, #tpu.memory_space<vmem>>) offsets(%dma_start3A_101 : memref<128xi32, #tpu.memory_space<vmem>>) semaphore(%arg11 : memref<!tpu.dma_semaphore, #tpu.memory_space<semaphore_mem>>)
      %add3A_105 = arith.constant 1 : i32
      %add3A_106 = arith.addi %mul3A_90, %add3A_105 : i32
      %dma_wait3A_107 = arith.constant 0 : i32
      %dma_wait3A_108 = tpu.memref_slice %arg6[%add3A_106, %dma_wait3A_107] : memref<40x128xi32, #tpu.memory_space<vmem>> -> memref<1x128xi32, #tpu.memory_space<vmem>>
      %dma_wait3A_109 = tpu.memref_squeeze %dma_wait3A_108 : memref<1x128xi32, #tpu.memory_space<vmem>> -> memref<128xi32, #tpu.memory_space<vmem>>
      %dma_wait3A_110 = arith.constant 0 : i32
      %dma_wait3A_111 = arith.constant 0 : i32
      %dma_wait3A_112 = tpu.memref_slice %arg2[%dma_wait3A_110, %dma_wait3A_111] : memref<80000x128xf32, #tpu.memory_space<hbm>> -> memref<80000x128xf32, #tpu.memory_space<hbm>>
      tpu.wait_indirect_dma semaphore(%arg12 : memref<!tpu.dma_semaphore, #tpu.memory_space<semaphore_mem>>) src(%dma_wait3A_112 : memref<80000x128xf32, #tpu.memory_space<hbm>>) dst(%arg9 : memref<128x128xf32, #tpu.memory_space<vmem>>)
      %add3A_113 = arith.constant 1 : i32
      %add3A_114 = arith.addi %mul3A_90, %add3A_113 : i32
      "tpu.region"() ({
        %run_scoped3A_123 = tpu.sem_alloc : memref<!tpu.dma_semaphore, #tpu.memory_space<semaphore_mem>>
        %dma_start3A_124 = arith.constant 0 : i32
        %dma_start3A_125 = tpu.memref_slice %arg7[%add3A_114, %dma_start3A_124] : memref<40x128xi32, #tpu.memory_space<vmem>> -> memref<1x128xi32, #tpu.memory_space<vmem>>
        %dma_start3A_126 = tpu.memref_squeeze %dma_start3A_125 : memref<1x128xi32, #tpu.memory_space<vmem>> -> memref<128xi32, #tpu.memory_space<vmem>>
        %dma_start3A_127 = arith.constant 0 : i32
        %dma_start3A_128 = arith.constant 0 : i32
        %dma_start3A_129 = tpu.memref_slice %arg10[%dma_start3A_127, %dma_start3A_128] : memref<10112x128xf32, #tpu.memory_space<vmem_shared>> -> memref<10112x128xf32, #tpu.memory_space<vmem_shared>>
        tpu.enqueue_indirect_dma source(%arg9 : memref<128x128xf32, #tpu.memory_space<vmem>>) target(%dma_start3A_129 : memref<10112x128xf32, #tpu.memory_space<vmem_shared>>) offsets(%dma_start3A_126 : memref<128xi32, #tpu.memory_space<vmem>>) semaphore(%run_scoped3A_123 : memref<!tpu.dma_semaphore, #tpu.memory_space<semaphore_mem>>) {add = true}
        %dma_wait3A_130 = arith.constant 0 : i32
        %dma_wait3A_131 = tpu.memref_slice %arg7[%add3A_114, %dma_wait3A_130] : memref<40x128xi32, #tpu.memory_space<vmem>> -> memref<1x128xi32, #tpu.memory_space<vmem>>
        %dma_wait3A_132 = tpu.memref_squeeze %dma_wait3A_131 : memref<1x128xi32, #tpu.memory_space<vmem>> -> memref<128xi32, #tpu.memory_space<vmem>>
        %dma_wait3A_133 = arith.constant 0 : i32
        %dma_wait3A_134 = arith.constant 0 : i32
        %dma_wait3A_135 = tpu.memref_slice %arg10[%dma_wait3A_133, %dma_wait3A_134] : memref<10112x128xf32, #tpu.memory_space<vmem_shared>> -> memref<10112x128xf32, #tpu.memory_space<vmem_shared>>
        tpu.wait_indirect_dma semaphore(%run_scoped3A_123 : memref<!tpu.dma_semaphore, #tpu.memory_space<semaphore_mem>>) src(%arg9 : memref<128x128xf32, #tpu.memory_space<vmem>>) dst(%dma_wait3A_135 : memref<10112x128xf32, #tpu.memory_space<vmem_shared>>)
        tpu.yield
      }) : () -> ()
      %add3A_115 = arith.constant 3 : i32
      %add3A_116 = arith.addi %mul3A_90, %add3A_115 : i32
      %dma_start3A_117 = arith.constant 0 : i32
      %dma_start3A_118 = tpu.memref_slice %arg6[%add3A_116, %dma_start3A_117] : memref<40x128xi32, #tpu.memory_space<vmem>> -> memref<1x128xi32, #tpu.memory_space<vmem>>
      %dma_start3A_119 = tpu.memref_squeeze %dma_start3A_118 : memref<1x128xi32, #tpu.memory_space<vmem>> -> memref<128xi32, #tpu.memory_space<vmem>>
      %dma_start3A_120 = arith.constant 0 : i32
      %dma_start3A_121 = arith.constant 0 : i32
      %dma_start3A_122 = tpu.memref_slice %arg2[%dma_start3A_120, %dma_start3A_121] : memref<80000x128xf32, #tpu.memory_space<hbm>> -> memref<80000x128xf32, #tpu.memory_space<hbm>>
      tpu.enqueue_indirect_dma source(%dma_start3A_122 : memref<80000x128xf32, #tpu.memory_space<hbm>>) target(%arg9 : memref<128x128xf32, #tpu.memory_space<vmem>>) offsets(%dma_start3A_119 : memref<128xi32, #tpu.memory_space<vmem>>) semaphore(%arg12 : memref<!tpu.dma_semaphore, #tpu.memory_space<semaphore_mem>>)
    }
    %scan3A_36 = arith.constant 19 : i32
    %dma_wait3A = arith.constant 38 : i32
    %dma_wait3A_37 = arith.constant 0 : i32
    %dma_wait3A_38 = tpu.memref_slice %arg6[%dma_wait3A, %dma_wait3A_37] : memref<40x128xi32, #tpu.memory_space<vmem>> -> memref<1x128xi32, #tpu.memory_space<vmem>>
    %dma_wait3A_39 = tpu.memref_squeeze %dma_wait3A_38 : memref<1x128xi32, #tpu.memory_space<vmem>> -> memref<128xi32, #tpu.memory_space<vmem>>
    %dma_wait3A_40 = arith.constant 0 : i32
    %dma_wait3A_41 = arith.constant 0 : i32
    %dma_wait3A_42 = tpu.memref_slice %arg2[%dma_wait3A_40, %dma_wait3A_41] : memref<80000x128xf32, #tpu.memory_space<hbm>> -> memref<80000x128xf32, #tpu.memory_space<hbm>>
    tpu.wait_indirect_dma semaphore(%arg11 : memref<!tpu.dma_semaphore, #tpu.memory_space<semaphore_mem>>) src(%dma_wait3A_42 : memref<80000x128xf32, #tpu.memory_space<hbm>>) dst(%arg8 : memref<128x128xf32, #tpu.memory_space<vmem>>)
    %run_scoped3A = arith.constant 38 : i32
    "tpu.region"() ({
      %run_scoped3A_88 = tpu.sem_alloc : memref<!tpu.dma_semaphore, #tpu.memory_space<semaphore_mem>>
      %dma_start3A_89 = arith.constant 0 : i32
      %dma_start3A_90 = tpu.memref_slice %arg7[%run_scoped3A, %dma_start3A_89] : memref<40x128xi32, #tpu.memory_space<vmem>> -> memref<1x128xi32, #tpu.memory_space<vmem>>
      %dma_start3A_91 = tpu.memref_squeeze %dma_start3A_90 : memref<1x128xi32, #tpu.memory_space<vmem>> -> memref<128xi32, #tpu.memory_space<vmem>>
      %dma_start3A_92 = arith.constant 0 : i32
      %dma_start3A_93 = arith.constant 0 : i32
      %dma_start3A_94 = tpu.memref_slice %arg10[%dma_start3A_92, %dma_start3A_93] : memref<10112x128xf32, #tpu.memory_space<vmem_shared>> -> memref<10112x128xf32, #tpu.memory_space<vmem_shared>>
      tpu.enqueue_indirect_dma source(%arg8 : memref<128x128xf32, #tpu.memory_space<vmem>>) target(%dma_start3A_94 : memref<10112x128xf32, #tpu.memory_space<vmem_shared>>) offsets(%dma_start3A_91 : memref<128xi32, #tpu.memory_space<vmem>>) semaphore(%run_scoped3A_88 : memref<!tpu.dma_semaphore, #tpu.memory_space<semaphore_mem>>) {add = true}
      %dma_wait3A_95 = arith.constant 0 : i32
      %dma_wait3A_96 = tpu.memref_slice %arg7[%run_scoped3A, %dma_wait3A_95] : memref<40x128xi32, #tpu.memory_space<vmem>> -> memref<1x128xi32, #tpu.memory_space<vmem>>
      %dma_wait3A_97 = tpu.memref_squeeze %dma_wait3A_96 : memref<1x128xi32, #tpu.memory_space<vmem>> -> memref<128xi32, #tpu.memory_space<vmem>>
      %dma_wait3A_98 = arith.constant 0 : i32
      %dma_wait3A_99 = arith.constant 0 : i32
      %dma_wait3A_100 = tpu.memref_slice %arg10[%dma_wait3A_98, %dma_wait3A_99] : memref<10112x128xf32, #tpu.memory_space<vmem_shared>> -> memref<10112x128xf32, #tpu.memory_space<vmem_shared>>
      tpu.wait_indirect_dma semaphore(%run_scoped3A_88 : memref<!tpu.dma_semaphore, #tpu.memory_space<semaphore_mem>>) src(%arg8 : memref<128x128xf32, #tpu.memory_space<vmem>>) dst(%dma_wait3A_100 : memref<10112x128xf32, #tpu.memory_space<vmem_shared>>)
      tpu.yield
    }) : () -> ()
    %dma_wait3A_43 = arith.constant 39 : i32
    %dma_wait3A_44 = arith.constant 0 : i32
    %dma_wait3A_45 = tpu.memref_slice %arg6[%dma_wait3A_43, %dma_wait3A_44] : memref<40x128xi32, #tpu.memory_space<vmem>> -> memref<1x128xi32, #tpu.memory_space<vmem>>
    %dma_wait3A_46 = tpu.memref_squeeze %dma_wait3A_45 : memref<1x128xi32, #tpu.memory_space<vmem>> -> memref<128xi32, #tpu.memory_space<vmem>>
    %dma_wait3A_47 = arith.constant 0 : i32
    %dma_wait3A_48 = arith.constant 0 : i32
    %dma_wait3A_49 = tpu.memref_slice %arg2[%dma_wait3A_47, %dma_wait3A_48] : memref<80000x128xf32, #tpu.memory_space<hbm>> -> memref<80000x128xf32, #tpu.memory_space<hbm>>
    tpu.wait_indirect_dma semaphore(%arg12 : memref<!tpu.dma_semaphore, #tpu.memory_space<semaphore_mem>>) src(%dma_wait3A_49 : memref<80000x128xf32, #tpu.memory_space<hbm>>) dst(%arg9 : memref<128x128xf32, #tpu.memory_space<vmem>>)
    %run_scoped3A_50 = arith.constant 39 : i32
    "tpu.region"() ({
      %run_scoped3A_88 = tpu.sem_alloc : memref<!tpu.dma_semaphore, #tpu.memory_space<semaphore_mem>>
      %dma_start3A_89 = arith.constant 0 : i32
      %dma_start3A_90 = tpu.memref_slice %arg7[%run_scoped3A_50, %dma_start3A_89] : memref<40x128xi32, #tpu.memory_space<vmem>> -> memref<1x128xi32, #tpu.memory_space<vmem>>
      %dma_start3A_91 = tpu.memref_squeeze %dma_start3A_90 : memref<1x128xi32, #tpu.memory_space<vmem>> -> memref<128xi32, #tpu.memory_space<vmem>>
      %dma_start3A_92 = arith.constant 0 : i32
      %dma_start3A_93 = arith.constant 0 : i32
      %dma_start3A_94 = tpu.memref_slice %arg10[%dma_start3A_92, %dma_start3A_93] : memref<10112x128xf32, #tpu.memory_space<vmem_shared>> -> memref<10112x128xf32, #tpu.memory_space<vmem_shared>>
      tpu.enqueue_indirect_dma source(%arg9 : memref<128x128xf32, #tpu.memory_space<vmem>>) target(%dma_start3A_94 : memref<10112x128xf32, #tpu.memory_space<vmem_shared>>) offsets(%dma_start3A_91 : memref<128xi32, #tpu.memory_space<vmem>>) semaphore(%run_scoped3A_88 : memref<!tpu.dma_semaphore, #tpu.memory_space<semaphore_mem>>) {add = true}
      %dma_wait3A_95 = arith.constant 0 : i32
      %dma_wait3A_96 = tpu.memref_slice %arg7[%run_scoped3A_50, %dma_wait3A_95] : memref<40x128xi32, #tpu.memory_space<vmem>> -> memref<1x128xi32, #tpu.memory_space<vmem>>
      %dma_wait3A_97 = tpu.memref_squeeze %dma_wait3A_96 : memref<1x128xi32, #tpu.memory_space<vmem>> -> memref<128xi32, #tpu.memory_space<vmem>>
      %dma_wait3A_98 = arith.constant 0 : i32
      %dma_wait3A_99 = arith.constant 0 : i32
      %dma_wait3A_100 = tpu.memref_slice %arg10[%dma_wait3A_98, %dma_wait3A_99] : memref<10112x128xf32, #tpu.memory_space<vmem_shared>> -> memref<10112x128xf32, #tpu.memory_space<vmem_shared>>
      tpu.wait_indirect_dma semaphore(%run_scoped3A_88 : memref<!tpu.dma_semaphore, #tpu.memory_space<semaphore_mem>>) src(%arg9 : memref<128x128xf32, #tpu.memory_space<vmem>>) dst(%dma_wait3A_100 : memref<10112x128xf32, #tpu.memory_space<vmem_shared>>)
      tpu.yield
    }) : () -> ()
    "tpu.region"() ({
      %run_scoped3A_88 = tpu.sem_alloc : memref<!tpu.dma_semaphore, #tpu.memory_space<semaphore_mem>>
      %dma_start3A_89 = arith.constant 40 : i32
      %dma_start3A_90 = arith.constant 0 : i32
      %dma_start3A_91 = tpu.memref_slice %arg3[%add3A, %dma_start3A_89, %dma_start3A_90] : memref<32x80x128xi32, #tpu.memory_space<hbm>> -> memref<1x40x128xi32, #tpu.memory_space<hbm>>
      %dma_start3A_92 = tpu.memref_squeeze %dma_start3A_91 : memref<1x40x128xi32, #tpu.memory_space<hbm>> -> memref<40x128xi32, #tpu.memory_space<hbm>>
      %dma_start3A_93 = arith.constant 40 : i32
      %dma_start3A_94 = arith.constant 0 : i32
      %dma_start3A_95 = tpu.memref_slice %arg3[%add3A, %dma_start3A_93, %dma_start3A_94] : memref<32x80x128xi32, #tpu.memory_space<hbm>> -> memref<1x40x128xi32, #tpu.memory_space<hbm>>
      %dma_start3A_96 = tpu.memref_squeeze %dma_start3A_95 : memref<1x40x128xi32, #tpu.memory_space<hbm>> -> memref<40x128xi32, #tpu.memory_space<hbm>>
      tpu.enqueue_dma source(%dma_start3A_96 : memref<40x128xi32, #tpu.memory_space<hbm>>) target(%arg6 : memref<40x128xi32, #tpu.memory_space<vmem>>) target_semaphore(%run_scoped3A_88 : memref<!tpu.dma_semaphore, #tpu.memory_space<semaphore_mem>>)
      %dma_wait3A_97 = arith.constant 40 : i32
      %dma_wait3A_98 = arith.constant 0 : i32
      %dma_wait3A_99 = tpu.memref_slice %arg3[%add3A, %dma_wait3A_97, %dma_wait3A_98] : memref<32x80x128xi32, #tpu.memory_space<hbm>> -> memref<1x40x128xi32, #tpu.memory_space<hbm>>
      %dma_wait3A_100 = tpu.memref_squeeze %dma_wait3A_99 : memref<1x40x128xi32, #tpu.memory_space<hbm>> -> memref<40x128xi32, #tpu.memory_space<hbm>>
      %dma_wait3A_101 = arith.constant 40 : i32
      %dma_wait3A_102 = arith.constant 0 : i32
      %dma_wait3A_103 = tpu.memref_slice %arg3[%add3A, %dma_wait3A_101, %dma_wait3A_102] : memref<32x80x128xi32, #tpu.memory_space<hbm>> -> memref<1x40x128xi32, #tpu.memory_space<hbm>>
      %dma_wait3A_104 = tpu.memref_squeeze %dma_wait3A_103 : memref<1x40x128xi32, #tpu.memory_space<hbm>> -> memref<40x128xi32, #tpu.memory_space<hbm>>
      tpu.wait_dma2 semaphore(%run_scoped3A_88 : memref<!tpu.dma_semaphore, #tpu.memory_space<semaphore_mem>>) src(%dma_wait3A_104 : memref<40x128xi32, #tpu.memory_space<hbm>>) dst(%arg6 : memref<40x128xi32, #tpu.memory_space<vmem>>)
      tpu.yield
    }) : () -> ()
    "tpu.region"() ({
      %run_scoped3A_88 = tpu.sem_alloc : memref<!tpu.dma_semaphore, #tpu.memory_space<semaphore_mem>>
      %dma_start3A_89 = arith.constant 40 : i32
      %dma_start3A_90 = arith.constant 0 : i32
      %dma_start3A_91 = tpu.memref_slice %arg4[%add3A, %dma_start3A_89, %dma_start3A_90] : memref<32x80x128xi32, #tpu.memory_space<hbm>> -> memref<1x40x128xi32, #tpu.memory_space<hbm>>
      %dma_start3A_92 = tpu.memref_squeeze %dma_start3A_91 : memref<1x40x128xi32, #tpu.memory_space<hbm>> -> memref<40x128xi32, #tpu.memory_space<hbm>>
      %dma_start3A_93 = arith.constant 40 : i32
      %dma_start3A_94 = arith.constant 0 : i32
      %dma_start3A_95 = tpu.memref_slice %arg4[%add3A, %dma_start3A_93, %dma_start3A_94] : memref<32x80x128xi32, #tpu.memory_space<hbm>> -> memref<1x40x128xi32, #tpu.memory_space<hbm>>
      %dma_start3A_96 = tpu.memref_squeeze %dma_start3A_95 : memref<1x40x128xi32, #tpu.memory_space<hbm>> -> memref<40x128xi32, #tpu.memory_space<hbm>>
      tpu.enqueue_dma source(%dma_start3A_96 : memref<40x128xi32, #tpu.memory_space<hbm>>) target(%arg7 : memref<40x128xi32, #tpu.memory_space<vmem>>) target_semaphore(%run_scoped3A_88 : memref<!tpu.dma_semaphore, #tpu.memory_space<semaphore_mem>>)
      %dma_wait3A_97 = arith.constant 40 : i32
      %dma_wait3A_98 = arith.constant 0 : i32
      %dma_wait3A_99 = tpu.memref_slice %arg4[%add3A, %dma_wait3A_97, %dma_wait3A_98] : memref<32x80x128xi32, #tpu.memory_space<hbm>> -> memref<1x40x128xi32, #tpu.memory_space<hbm>>
      %dma_wait3A_100 = tpu.memref_squeeze %dma_wait3A_99 : memref<1x40x128xi32, #tpu.memory_space<hbm>> -> memref<40x128xi32, #tpu.memory_space<hbm>>
      %dma_wait3A_101 = arith.constant 40 : i32
      %dma_wait3A_102 = arith.constant 0 : i32
      %dma_wait3A_103 = tpu.memref_slice %arg4[%add3A, %dma_wait3A_101, %dma_wait3A_102] : memref<32x80x128xi32, #tpu.memory_space<hbm>> -> memref<1x40x128xi32, #tpu.memory_space<hbm>>
      %dma_wait3A_104 = tpu.memref_squeeze %dma_wait3A_103 : memref<1x40x128xi32, #tpu.memory_space<hbm>> -> memref<40x128xi32, #tpu.memory_space<hbm>>
      tpu.wait_dma2 semaphore(%run_scoped3A_88 : memref<!tpu.dma_semaphore, #tpu.memory_space<semaphore_mem>>) src(%dma_wait3A_104 : memref<40x128xi32, #tpu.memory_space<hbm>>) dst(%arg7 : memref<40x128xi32, #tpu.memory_space<vmem>>)
      tpu.yield
    }) : () -> ()
    %dma_start3A_51 = arith.constant 0 : i32
    %dma_start3A_52 = arith.constant 0 : i32
    %dma_start3A_53 = tpu.memref_slice %arg6[%dma_start3A_51, %dma_start3A_52] : memref<40x128xi32, #tpu.memory_space<vmem>> -> memref<1x128xi32, #tpu.memory_space<vmem>>
    %dma_start3A_54 = tpu.memref_squeeze %dma_start3A_53 : memref<1x128xi32, #tpu.memory_space<vmem>> -> memref<128xi32, #tpu.memory_space<vmem>>
    %dma_start3A_55 = arith.constant 0 : i32
    %dma_start3A_56 = arith.constant 0 : i32
    %dma_start3A_57 = tpu.memref_slice %arg2[%dma_start3A_55, %dma_start3A_56] : memref<80000x128xf32, #tpu.memory_space<hbm>> -> memref<80000x128xf32, #tpu.memory_space<hbm>>
    tpu.enqueue_indirect_dma source(%dma_start3A_57 : memref<80000x128xf32, #tpu.memory_space<hbm>>) target(%arg8 : memref<128x128xf32, #tpu.memory_space<vmem>>) offsets(%dma_start3A_54 : memref<128xi32, #tpu.memory_space<vmem>>) semaphore(%arg11 : memref<!tpu.dma_semaphore, #tpu.memory_space<semaphore_mem>>)
    %dma_start3A_58 = arith.constant 1 : i32
    %dma_start3A_59 = arith.constant 0 : i32
    %dma_start3A_60 = tpu.memref_slice %arg6[%dma_start3A_58, %dma_start3A_59] : memref<40x128xi32, #tpu.memory_space<vmem>> -> memref<1x128xi32, #tpu.memory_space<vmem>>
    %dma_start3A_61 = tpu.memref_squeeze %dma_start3A_60 : memref<1x128xi32, #tpu.memory_space<vmem>> -> memref<128xi32, #tpu.memory_space<vmem>>
    %dma_start3A_62 = arith.constant 0 : i32
    %dma_start3A_63 = arith.constant 0 : i32
    %dma_start3A_64 = tpu.memref_slice %arg2[%dma_start3A_62, %dma_start3A_63] : memref<80000x128xf32, #tpu.memory_space<hbm>> -> memref<80000x128xf32, #tpu.memory_space<hbm>>
    tpu.enqueue_indirect_dma source(%dma_start3A_64 : memref<80000x128xf32, #tpu.memory_space<hbm>>) target(%arg9 : memref<128x128xf32, #tpu.memory_space<vmem>>) offsets(%dma_start3A_61 : memref<128xi32, #tpu.memory_space<vmem>>) semaphore(%arg12 : memref<!tpu.dma_semaphore, #tpu.memory_space<semaphore_mem>>)
    %scan3A_65 = arith.constant 0 : i32
    %scan3A_66 = arith.constant 0 : i32
    %scan3A_67 = arith.constant 19 : i32
    %scan3A_68 = arith.addi %scan3A_66, %scan3A_67 : i32
    %scan3A_69 = arith.constant 1 : i32
    scf.for %scan3A_88 = %scan3A_66 to %scan3A_68 step %scan3A_69  : i32 {
      %mul3A_89 = arith.constant 2 : i32
      %mul3A_90 = arith.muli %mul3A_89, %scan3A_88 : i32
      %dma_wait3A_91 = arith.constant 0 : i32
      %dma_wait3A_92 = tpu.memref_slice %arg6[%mul3A_90, %dma_wait3A_91] : memref<40x128xi32, #tpu.memory_space<vmem>> -> memref<1x128xi32, #tpu.memory_space<vmem>>
      %dma_wait3A_93 = tpu.memref_squeeze %dma_wait3A_92 : memref<1x128xi32, #tpu.memory_space<vmem>> -> memref<128xi32, #tpu.memory_space<vmem>>
      %dma_wait3A_94 = arith.constant 0 : i32
      %dma_wait3A_95 = arith.constant 0 : i32
      %dma_wait3A_96 = tpu.memref_slice %arg2[%dma_wait3A_94, %dma_wait3A_95] : memref<80000x128xf32, #tpu.memory_space<hbm>> -> memref<80000x128xf32, #tpu.memory_space<hbm>>
      tpu.wait_indirect_dma semaphore(%arg11 : memref<!tpu.dma_semaphore, #tpu.memory_space<semaphore_mem>>) src(%dma_wait3A_96 : memref<80000x128xf32, #tpu.memory_space<hbm>>) dst(%arg8 : memref<128x128xf32, #tpu.memory_space<vmem>>)
      "tpu.region"() ({
        %run_scoped3A_123 = tpu.sem_alloc : memref<!tpu.dma_semaphore, #tpu.memory_space<semaphore_mem>>
        %dma_start3A_124 = arith.constant 0 : i32
        %dma_start3A_125 = tpu.memref_slice %arg7[%mul3A_90, %dma_start3A_124] : memref<40x128xi32, #tpu.memory_space<vmem>> -> memref<1x128xi32, #tpu.memory_space<vmem>>
        %dma_start3A_126 = tpu.memref_squeeze %dma_start3A_125 : memref<1x128xi32, #tpu.memory_space<vmem>> -> memref<128xi32, #tpu.memory_space<vmem>>
        %dma_start3A_127 = arith.constant 0 : i32
        %dma_start3A_128 = arith.constant 0 : i32
        %dma_start3A_129 = tpu.memref_slice %arg10[%dma_start3A_127, %dma_start3A_128] : memref<10112x128xf32, #tpu.memory_space<vmem_shared>> -> memref<10112x128xf32, #tpu.memory_space<vmem_shared>>
        tpu.enqueue_indirect_dma source(%arg8 : memref<128x128xf32, #tpu.memory_space<vmem>>) target(%dma_start3A_129 : memref<10112x128xf32, #tpu.memory_space<vmem_shared>>) offsets(%dma_start3A_126 : memref<128xi32, #tpu.memory_space<vmem>>) semaphore(%run_scoped3A_123 : memref<!tpu.dma_semaphore, #tpu.memory_space<semaphore_mem>>) {add = true}
        %dma_wait3A_130 = arith.constant 0 : i32
        %dma_wait3A_131 = tpu.memref_slice %arg7[%mul3A_90, %dma_wait3A_130] : memref<40x128xi32, #tpu.memory_space<vmem>> -> memref<1x128xi32, #tpu.memory_space<vmem>>
        %dma_wait3A_132 = tpu.memref_squeeze %dma_wait3A_131 : memref<1x128xi32, #tpu.memory_space<vmem>> -> memref<128xi32, #tpu.memory_space<vmem>>
        %dma_wait3A_133 = arith.constant 0 : i32
        %dma_wait3A_134 = arith.constant 0 : i32
        %dma_wait3A_135 = tpu.memref_slice %arg10[%dma_wait3A_133, %dma_wait3A_134] : memref<10112x128xf32, #tpu.memory_space<vmem_shared>> -> memref<10112x128xf32, #tpu.memory_space<vmem_shared>>
        tpu.wait_indirect_dma semaphore(%run_scoped3A_123 : memref<!tpu.dma_semaphore, #tpu.memory_space<semaphore_mem>>) src(%arg8 : memref<128x128xf32, #tpu.memory_space<vmem>>) dst(%dma_wait3A_135 : memref<10112x128xf32, #tpu.memory_space<vmem_shared>>)
        tpu.yield
      }) : () -> ()
      %add3A_97 = arith.constant 2 : i32
      %add3A_98 = arith.addi %mul3A_90, %add3A_97 : i32
      %dma_start3A_99 = arith.constant 0 : i32
      %dma_start3A_100 = tpu.memref_slice %arg6[%add3A_98, %dma_start3A_99] : memref<40x128xi32, #tpu.memory_space<vmem>> -> memref<1x128xi32, #tpu.memory_space<vmem>>
      %dma_start3A_101 = tpu.memref_squeeze %dma_start3A_100 : memref<1x128xi32, #tpu.memory_space<vmem>> -> memref<128xi32, #tpu.memory_space<vmem>>
      %dma_start3A_102 = arith.constant 0 : i32
      %dma_start3A_103 = arith.constant 0 : i32
      %dma_start3A_104 = tpu.memref_slice %arg2[%dma_start3A_102, %dma_start3A_103] : memref<80000x128xf32, #tpu.memory_space<hbm>> -> memref<80000x128xf32, #tpu.memory_space<hbm>>
      tpu.enqueue_indirect_dma source(%dma_start3A_104 : memref<80000x128xf32, #tpu.memory_space<hbm>>) target(%arg8 : memref<128x128xf32, #tpu.memory_space<vmem>>) offsets(%dma_start3A_101 : memref<128xi32, #tpu.memory_space<vmem>>) semaphore(%arg11 : memref<!tpu.dma_semaphore, #tpu.memory_space<semaphore_mem>>)
      %add3A_105 = arith.constant 1 : i32
      %add3A_106 = arith.addi %mul3A_90, %add3A_105 : i32
      %dma_wait3A_107 = arith.constant 0 : i32
      %dma_wait3A_108 = tpu.memref_slice %arg6[%add3A_106, %dma_wait3A_107] : memref<40x128xi32, #tpu.memory_space<vmem>> -> memref<1x128xi32, #tpu.memory_space<vmem>>
      %dma_wait3A_109 = tpu.memref_squeeze %dma_wait3A_108 : memref<1x128xi32, #tpu.memory_space<vmem>> -> memref<128xi32, #tpu.memory_space<vmem>>
      %dma_wait3A_110 = arith.constant 0 : i32
      %dma_wait3A_111 = arith.constant 0 : i32
      %dma_wait3A_112 = tpu.memref_slice %arg2[%dma_wait3A_110, %dma_wait3A_111] : memref<80000x128xf32, #tpu.memory_space<hbm>> -> memref<80000x128xf32, #tpu.memory_space<hbm>>
      tpu.wait_indirect_dma semaphore(%arg12 : memref<!tpu.dma_semaphore, #tpu.memory_space<semaphore_mem>>) src(%dma_wait3A_112 : memref<80000x128xf32, #tpu.memory_space<hbm>>) dst(%arg9 : memref<128x128xf32, #tpu.memory_space<vmem>>)
      %add3A_113 = arith.constant 1 : i32
      %add3A_114 = arith.addi %mul3A_90, %add3A_113 : i32
      "tpu.region"() ({
        %run_scoped3A_123 = tpu.sem_alloc : memref<!tpu.dma_semaphore, #tpu.memory_space<semaphore_mem>>
        %dma_start3A_124 = arith.constant 0 : i32
        %dma_start3A_125 = tpu.memref_slice %arg7[%add3A_114, %dma_start3A_124] : memref<40x128xi32, #tpu.memory_space<vmem>> -> memref<1x128xi32, #tpu.memory_space<vmem>>
        %dma_start3A_126 = tpu.memref_squeeze %dma_start3A_125 : memref<1x128xi32, #tpu.memory_space<vmem>> -> memref<128xi32, #tpu.memory_space<vmem>>
        %dma_start3A_127 = arith.constant 0 : i32
        %dma_start3A_128 = arith.constant 0 : i32
        %dma_start3A_129 = tpu.memref_slice %arg10[%dma_start3A_127, %dma_start3A_128] : memref<10112x128xf32, #tpu.memory_space<vmem_shared>> -> memref<10112x128xf32, #tpu.memory_space<vmem_shared>>
        tpu.enqueue_indirect_dma source(%arg9 : memref<128x128xf32, #tpu.memory_space<vmem>>) target(%dma_start3A_129 : memref<10112x128xf32, #tpu.memory_space<vmem_shared>>) offsets(%dma_start3A_126 : memref<128xi32, #tpu.memory_space<vmem>>) semaphore(%run_scoped3A_123 : memref<!tpu.dma_semaphore, #tpu.memory_space<semaphore_mem>>) {add = true}
        %dma_wait3A_130 = arith.constant 0 : i32
        %dma_wait3A_131 = tpu.memref_slice %arg7[%add3A_114, %dma_wait3A_130] : memref<40x128xi32, #tpu.memory_space<vmem>> -> memref<1x128xi32, #tpu.memory_space<vmem>>
        %dma_wait3A_132 = tpu.memref_squeeze %dma_wait3A_131 : memref<1x128xi32, #tpu.memory_space<vmem>> -> memref<128xi32, #tpu.memory_space<vmem>>
        %dma_wait3A_133 = arith.constant 0 : i32
        %dma_wait3A_134 = arith.constant 0 : i32
        %dma_wait3A_135 = tpu.memref_slice %arg10[%dma_wait3A_133, %dma_wait3A_134] : memref<10112x128xf32, #tpu.memory_space<vmem_shared>> -> memref<10112x128xf32, #tpu.memory_space<vmem_shared>>
        tpu.wait_indirect_dma semaphore(%run_scoped3A_123 : memref<!tpu.dma_semaphore, #tpu.memory_space<semaphore_mem>>) src(%arg9 : memref<128x128xf32, #tpu.memory_space<vmem>>) dst(%dma_wait3A_135 : memref<10112x128xf32, #tpu.memory_space<vmem_shared>>)
        tpu.yield
      }) : () -> ()
      %add3A_115 = arith.constant 3 : i32
      %add3A_116 = arith.addi %mul3A_90, %add3A_115 : i32
      %dma_start3A_117 = arith.constant 0 : i32
      %dma_start3A_118 = tpu.memref_slice %arg6[%add3A_116, %dma_start3A_117] : memref<40x128xi32, #tpu.memory_space<vmem>> -> memref<1x128xi32, #tpu.memory_space<vmem>>
      %dma_start3A_119 = tpu.memref_squeeze %dma_start3A_118 : memref<1x128xi32, #tpu.memory_space<vmem>> -> memref<128xi32, #tpu.memory_space<vmem>>
      %dma_start3A_120 = arith.constant 0 : i32
      %dma_start3A_121 = arith.constant 0 : i32
      %dma_start3A_122 = tpu.memref_slice %arg2[%dma_start3A_120, %dma_start3A_121] : memref<80000x128xf32, #tpu.memory_space<hbm>> -> memref<80000x128xf32, #tpu.memory_space<hbm>>
      tpu.enqueue_indirect_dma source(%dma_start3A_122 : memref<80000x128xf32, #tpu.memory_space<hbm>>) target(%arg9 : memref<128x128xf32, #tpu.memory_space<vmem>>) offsets(%dma_start3A_119 : memref<128xi32, #tpu.memory_space<vmem>>) semaphore(%arg12 : memref<!tpu.dma_semaphore, #tpu.memory_space<semaphore_mem>>)
    }
    %scan3A_70 = arith.constant 19 : i32
    %dma_wait3A_71 = arith.constant 38 : i32
    %dma_wait3A_72 = arith.constant 0 : i32
    %dma_wait3A_73 = tpu.memref_slice %arg6[%dma_wait3A_71, %dma_wait3A_72] : memref<40x128xi32, #tpu.memory_space<vmem>> -> memref<1x128xi32, #tpu.memory_space<vmem>>
    %dma_wait3A_74 = tpu.memref_squeeze %dma_wait3A_73 : memref<1x128xi32, #tpu.memory_space<vmem>> -> memref<128xi32, #tpu.memory_space<vmem>>
    %dma_wait3A_75 = arith.constant 0 : i32
    %dma_wait3A_76 = arith.constant 0 : i32
    %dma_wait3A_77 = tpu.memref_slice %arg2[%dma_wait3A_75, %dma_wait3A_76] : memref<80000x128xf32, #tpu.memory_space<hbm>> -> memref<80000x128xf32, #tpu.memory_space<hbm>>
    tpu.wait_indirect_dma semaphore(%arg11 : memref<!tpu.dma_semaphore, #tpu.memory_space<semaphore_mem>>) src(%dma_wait3A_77 : memref<80000x128xf32, #tpu.memory_space<hbm>>) dst(%arg8 : memref<128x128xf32, #tpu.memory_space<vmem>>)
    %run_scoped3A_78 = arith.constant 38 : i32
    "tpu.region"() ({
      %run_scoped3A_88 = tpu.sem_alloc : memref<!tpu.dma_semaphore, #tpu.memory_space<semaphore_mem>>
      %dma_start3A_89 = arith.constant 0 : i32
      %dma_start3A_90 = tpu.memref_slice %arg7[%run_scoped3A_78, %dma_start3A_89] : memref<40x128xi32, #tpu.memory_space<vmem>> -> memref<1x128xi32, #tpu.memory_space<vmem>>
      %dma_start3A_91 = tpu.memref_squeeze %dma_start3A_90 : memref<1x128xi32, #tpu.memory_space<vmem>> -> memref<128xi32, #tpu.memory_space<vmem>>
      %dma_start3A_92 = arith.constant 0 : i32
      %dma_start3A_93 = arith.constant 0 : i32
      %dma_start3A_94 = tpu.memref_slice %arg10[%dma_start3A_92, %dma_start3A_93] : memref<10112x128xf32, #tpu.memory_space<vmem_shared>> -> memref<10112x128xf32, #tpu.memory_space<vmem_shared>>
      tpu.enqueue_indirect_dma source(%arg8 : memref<128x128xf32, #tpu.memory_space<vmem>>) target(%dma_start3A_94 : memref<10112x128xf32, #tpu.memory_space<vmem_shared>>) offsets(%dma_start3A_91 : memref<128xi32, #tpu.memory_space<vmem>>) semaphore(%run_scoped3A_88 : memref<!tpu.dma_semaphore, #tpu.memory_space<semaphore_mem>>) {add = true}
      %dma_wait3A_95 = arith.constant 0 : i32
      %dma_wait3A_96 = tpu.memref_slice %arg7[%run_scoped3A_78, %dma_wait3A_95] : memref<40x128xi32, #tpu.memory_space<vmem>> -> memref<1x128xi32, #tpu.memory_space<vmem>>
      %dma_wait3A_97 = tpu.memref_squeeze %dma_wait3A_96 : memref<1x128xi32, #tpu.memory_space<vmem>> -> memref<128xi32, #tpu.memory_space<vmem>>
      %dma_wait3A_98 = arith.constant 0 : i32
      %dma_wait3A_99 = arith.constant 0 : i32
      %dma_wait3A_100 = tpu.memref_slice %arg10[%dma_wait3A_98, %dma_wait3A_99] : memref<10112x128xf32, #tpu.memory_space<vmem_shared>> -> memref<10112x128xf32, #tpu.memory_space<vmem_shared>>
      tpu.wait_indirect_dma semaphore(%run_scoped3A_88 : memref<!tpu.dma_semaphore, #tpu.memory_space<semaphore_mem>>) src(%arg8 : memref<128x128xf32, #tpu.memory_space<vmem>>) dst(%dma_wait3A_100 : memref<10112x128xf32, #tpu.memory_space<vmem_shared>>)
      tpu.yield
    }) : () -> ()
    %dma_wait3A_79 = arith.constant 39 : i32
    %dma_wait3A_80 = arith.constant 0 : i32
    %dma_wait3A_81 = tpu.memref_slice %arg6[%dma_wait3A_79, %dma_wait3A_80] : memref<40x128xi32, #tpu.memory_space<vmem>> -> memref<1x128xi32, #tpu.memory_space<vmem>>
    %dma_wait3A_82 = tpu.memref_squeeze %dma_wait3A_81 : memref<1x128xi32, #tpu.memory_space<vmem>> -> memref<128xi32, #tpu.memory_space<vmem>>
    %dma_wait3A_83 = arith.constant 0 : i32
    %dma_wait3A_84 = arith.constant 0 : i32
    %dma_wait3A_85 = tpu.memref_slice %arg2[%dma_wait3A_83, %dma_wait3A_84] : memref<80000x128xf32, #tpu.memory_space<hbm>> -> memref<80000x128xf32, #tpu.memory_space<hbm>>
    tpu.wait_indirect_dma semaphore(%arg12 : memref<!tpu.dma_semaphore, #tpu.memory_space<semaphore_mem>>) src(%dma_wait3A_85 : memref<80000x128xf32, #tpu.memory_space<hbm>>) dst(%arg9 : memref<128x128xf32, #tpu.memory_space<vmem>>)
    %run_scoped3A_86 = arith.constant 39 : i32
    "tpu.region"() ({
      %run_scoped3A_88 = tpu.sem_alloc : memref<!tpu.dma_semaphore, #tpu.memory_space<semaphore_mem>>
      %dma_start3A_89 = arith.constant 0 : i32
      %dma_start3A_90 = tpu.memref_slice %arg7[%run_scoped3A_86, %dma_start3A_89] : memref<40x128xi32, #tpu.memory_space<vmem>> -> memref<1x128xi32, #tpu.memory_space<vmem>>
      %dma_start3A_91 = tpu.memref_squeeze %dma_start3A_90 : memref<1x128xi32, #tpu.memory_space<vmem>> -> memref<128xi32, #tpu.memory_space<vmem>>
      %dma_start3A_92 = arith.constant 0 : i32
      %dma_start3A_93 = arith.constant 0 : i32
      %dma_start3A_94 = tpu.memref_slice %arg10[%dma_start3A_92, %dma_start3A_93] : memref<10112x128xf32, #tpu.memory_space<vmem_shared>> -> memref<10112x128xf32, #tpu.memory_space<vmem_shared>>
      tpu.enqueue_indirect_dma source(%arg9 : memref<128x128xf32, #tpu.memory_space<vmem>>) target(%dma_start3A_94 : memref<10112x128xf32, #tpu.memory_space<vmem_shared>>) offsets(%dma_start3A_91 : memref<128xi32, #tpu.memory_space<vmem>>) semaphore(%run_scoped3A_88 : memref<!tpu.dma_semaphore, #tpu.memory_space<semaphore_mem>>) {add = true}
      %dma_wait3A_95 = arith.constant 0 : i32
      %dma_wait3A_96 = tpu.memref_slice %arg7[%run_scoped3A_86, %dma_wait3A_95] : memref<40x128xi32, #tpu.memory_space<vmem>> -> memref<1x128xi32, #tpu.memory_space<vmem>>
      %dma_wait3A_97 = tpu.memref_squeeze %dma_wait3A_96 : memref<1x128xi32, #tpu.memory_space<vmem>> -> memref<128xi32, #tpu.memory_space<vmem>>
      %dma_wait3A_98 = arith.constant 0 : i32
      %dma_wait3A_99 = arith.constant 0 : i32
      %dma_wait3A_100 = tpu.memref_slice %arg10[%dma_wait3A_98, %dma_wait3A_99] : memref<10112x128xf32, #tpu.memory_space<vmem_shared>> -> memref<10112x128xf32, #tpu.memory_space<vmem_shared>>
      tpu.wait_indirect_dma semaphore(%run_scoped3A_88 : memref<!tpu.dma_semaphore, #tpu.memory_space<semaphore_mem>>) src(%arg9 : memref<128x128xf32, #tpu.memory_space<vmem>>) dst(%dma_wait3A_100 : memref<10112x128xf32, #tpu.memory_space<vmem_shared>>)
      tpu.yield
    }) : () -> ()
    %barrier3A_87 = arith.constant 0 : index
    tpu.barrier barrier_id(%barrier3A_87)
    "tpu.region"() ({
      %run_scoped3A_88 = tpu.sem_alloc : memref<!tpu.dma_semaphore, #tpu.memory_space<semaphore_mem>>
      %dma_start3A_89 = arith.constant 0 : i32
      %dma_start3A_90 = tpu.memref_slice %arg5[%arg0, %mul3A_2, %dma_start3A_89] : memref<2x10112x128xf32, #tpu.memory_space<hbm>> -> memref<1x632x128xf32, #tpu.memory_space<hbm>>
      %dma_start3A_91 = tpu.memref_squeeze %dma_start3A_90 : memref<1x632x128xf32, #tpu.memory_space<hbm>> -> memref<632x128xf32, #tpu.memory_space<hbm>>
      %dma_start3A_92 = arith.constant 0 : i32
      %dma_start3A_93 = tpu.memref_slice %arg10[%mul3A_2, %dma_start3A_92] : memref<10112x128xf32, #tpu.memory_space<vmem_shared>> -> memref<632x128xf32, #tpu.memory_space<vmem_shared>>
      tpu.enqueue_dma source(%dma_start3A_93 : memref<632x128xf32, #tpu.memory_space<vmem_shared>>) target(%dma_start3A_91 : memref<632x128xf32, #tpu.memory_space<hbm>>) target_semaphore(%run_scoped3A_88 : memref<!tpu.dma_semaphore, #tpu.memory_space<semaphore_mem>>)
      %dma_wait3A_94 = arith.constant 0 : i32
      %dma_wait3A_95 = tpu.memref_slice %arg5[%arg0, %mul3A_2, %dma_wait3A_94] : memref<2x10112x128xf32, #tpu.memory_space<hbm>> -> memref<1x632x128xf32, #tpu.memory_space<hbm>>
      %dma_wait3A_96 = tpu.memref_squeeze %dma_wait3A_95 : memref<1x632x128xf32, #tpu.memory_space<hbm>> -> memref<632x128xf32, #tpu.memory_space<hbm>>
      %dma_wait3A_97 = arith.constant 0 : i32
      %dma_wait3A_98 = tpu.memref_slice %arg10[%mul3A_2, %dma_wait3A_97] : memref<10112x128xf32, #tpu.memory_space<vmem_shared>> -> memref<632x128xf32, #tpu.memory_space<vmem_shared>>
      tpu.wait_dma2 semaphore(%run_scoped3A_88 : memref<!tpu.dma_semaphore, #tpu.memory_space<semaphore_mem>>) src(%dma_wait3A_98 : memref<632x128xf32, #tpu.memory_space<vmem_shared>>) dst(%dma_wait3A_96 : memref<632x128xf32, #tpu.memory_space<hbm>>)
      tpu.yield
    }) : () -> ()
    return
  }
}

module attributes {stable_mosaic.version = 14 : i64} {
  func.func @_prep_body(%arg0: memref<2x2500x128xi32, #tpu.memory_space<vmem>>, %arg1: memref<2500x128xi32, #tpu.memory_space<vmem>>, %arg2: memref<2560x128xi32, #tpu.memory_space<vmem>>, %arg3: memref<2560x128xi32, #tpu.memory_space<vmem>>) attributes {dimension_semantics = [], scalar_prefetch = 0 : i64, scratch_operands = 0 : i64, tpu.core_type = #tpu.core_type<tc>} {
    %get3A = arith.constant 0 : index
    %get3A_0 = arith.constant 0 : index
    %get3A_1 = arith.constant 0 : index
    %get3A_2 = vector.load %arg0[%get3A, %get3A_0, %get3A_1] : memref<2x2500x128xi32, #tpu.memory_space<vmem>>, vector<1x2500x128xi32>
    %get3A_3 = vector.shape_cast %get3A_2 : vector<1x2500x128xi32> to vector<2500x128xi32>
    %get3A_4 = arith.constant 1 : index
    %get3A_5 = arith.constant 0 : index
    %get3A_6 = arith.constant 0 : index
    %get3A_7 = vector.load %arg0[%get3A_4, %get3A_5, %get3A_6] : memref<2x2500x128xi32, #tpu.memory_space<vmem>>, vector<1x2500x128xi32>
    %get3A_8 = vector.shape_cast %get3A_7 : vector<1x2500x128xi32> to vector<2500x128xi32>
    %get3A_9 = arith.constant 0 : index
    %get3A_10 = arith.constant 0 : index
    %get3A_11 = vector.load %arg1[%get3A_9, %get3A_10] : memref<2500x128xi32, #tpu.memory_space<vmem>>, vector<2500x128xi32>
    %mul3A = arith.constant 10000 : i32
    %mul3A_12 = vector.broadcast %mul3A : i32 to vector<2500x128xi32>
    %mul3A_13 = arith.muli %get3A_11, %mul3A_12 : vector<2500x128xi32>
    %add3A = arith.addi %mul3A_13, %get3A_3 : vector<2500x128xi32>
    %iota3A = tpu.iota {dimensions = array<i32: 0>} : vector<60x128xi32>
    %mul3A_14 = arith.constant 128 : i32
    %mul3A_15 = vector.broadcast %mul3A_14 : i32 to vector<60x128xi32>
    %mul3A_16 = arith.muli %iota3A, %mul3A_15 : vector<60x128xi32>
    %iota3A_17 = tpu.iota {dimensions = array<i32: 1>} : vector<60x128xi32>
    %add3A_18 = arith.addi %mul3A_16, %iota3A_17 : vector<60x128xi32>
    %jit3A = arith.constant 8 : i32
    %eq3A = arith.constant 0 : i32
    %eq3A_19 = arith.cmpi eq, %jit3A, %eq3A : i32
    %jit3A_20 = arith.constant 1 : i32
    %select_n3A = arith.select %eq3A_19, %jit3A_20, %jit3A : i32
    %rem3A = vector.broadcast %select_n3A : i32 to vector<60x128xi32>
    %rem3A_21 = arith.remsi %add3A_18, %rem3A : vector<60x128xi32>
    %ne3A = arith.constant 0 : i32
    %ne3A_22 = vector.broadcast %ne3A : i32 to vector<60x128xi32>
    %ne3A_23 = arith.cmpi ne, %rem3A_21, %ne3A_22 : vector<60x128xi32>
    %lt3A = arith.constant 0 : i32
    %lt3A_24 = vector.broadcast %lt3A : i32 to vector<60x128xi32>
    %lt3A_25 = arith.cmpi slt, %rem3A_21, %lt3A_24 : vector<60x128xi32>
    %lt3A_26 = arith.constant 0 : i32
    %lt3A_27 = arith.cmpi slt, %select_n3A, %lt3A_26 : i32
    %ne3A_28 = vector.broadcast %lt3A_27 : i1 to vector<60x128xi1>
    %ne3A_29 = vector.broadcast %ne3A_28 : vector<60x128xi1> to vector<60x128xi1>
    %ne3A_30 = arith.xori %lt3A_25, %ne3A_29 : vector<60x128xi1>
    %and3A = arith.andi %ne3A_30, %ne3A_23 : vector<60x128xi1>
    %add3A_31 = vector.broadcast %select_n3A : i32 to vector<60x128xi32>
    %add3A_32 = arith.addi %rem3A_21, %add3A_31 : vector<60x128xi32>
    %select_n3A_33 = arith.select %and3A, %add3A_32, %rem3A_21 : vector<60x128xi1>, vector<60x128xi32>
    %mul3A_34 = arith.constant 10000 : i32
    %mul3A_35 = vector.broadcast %mul3A_34 : i32 to vector<60x128xi32>
    %mul3A_36 = arith.muli %select_n3A_33, %mul3A_35 : vector<60x128xi32>
    %add3A_37 = arith.addi %mul3A_36, %add3A_18 : vector<60x128xi32>
    %jit3A_38 = arith.constant 112 : i32
    %eq3A_39 = arith.constant 0 : i32
    %eq3A_40 = arith.cmpi eq, %jit3A_38, %eq3A_39 : i32
    %jit3A_41 = arith.constant 1 : i32
    %select_n3A_42 = arith.select %eq3A_40, %jit3A_41, %jit3A_38 : i32
    %rem3A_43 = vector.broadcast %select_n3A_42 : i32 to vector<60x128xi32>
    %rem3A_44 = arith.remsi %add3A_18, %rem3A_43 : vector<60x128xi32>
    %ne3A_45 = arith.constant 0 : i32
    %ne3A_46 = vector.broadcast %ne3A_45 : i32 to vector<60x128xi32>
    %ne3A_47 = arith.cmpi ne, %rem3A_44, %ne3A_46 : vector<60x128xi32>
    %lt3A_48 = arith.constant 0 : i32
    %lt3A_49 = vector.broadcast %lt3A_48 : i32 to vector<60x128xi32>
    %lt3A_50 = arith.cmpi slt, %rem3A_44, %lt3A_49 : vector<60x128xi32>
    %lt3A_51 = arith.constant 0 : i32
    %lt3A_52 = arith.cmpi slt, %select_n3A_42, %lt3A_51 : i32
    %ne3A_53 = vector.broadcast %lt3A_52 : i1 to vector<60x128xi1>
    %ne3A_54 = vector.broadcast %ne3A_53 : vector<60x128xi1> to vector<60x128xi1>
    %ne3A_55 = arith.xori %lt3A_50, %ne3A_54 : vector<60x128xi1>
    %and3A_56 = arith.andi %ne3A_55, %ne3A_47 : vector<60x128xi1>
    %add3A_57 = vector.broadcast %select_n3A_42 : i32 to vector<60x128xi32>
    %add3A_58 = arith.addi %rem3A_44, %add3A_57 : vector<60x128xi32>
    %select_n3A_59 = arith.select %and3A_56, %add3A_58, %rem3A_44 : vector<60x128xi1>, vector<60x128xi32>
    %add3A_60 = arith.constant 10000 : i32
    %add3A_61 = vector.broadcast %add3A_60 : i32 to vector<60x128xi32>
    %add3A_62 = arith.addi %add3A_61, %select_n3A_59 : vector<60x128xi32>
    %concatenate3A = tpu.concatenate %add3A, %add3A_37 in 0 : vector<2500x128xi32>, vector<60x128xi32> -> vector<2560x128xi32>
    %swap3A = arith.constant 0 : index
    %swap3A_63 = arith.constant 0 : index
    %swap3A_64 = vector.load %arg2[%swap3A, %swap3A_63] : memref<2560x128xi32, #tpu.memory_space<vmem>>, vector<2560x128xi32>
    tpu.vector_store %arg2[%swap3A, %swap3A_63], %concatenate3A {strides = array<i32>} : memref<2560x128xi32, #tpu.memory_space<vmem>>, vector<2560x128xi32>,
    %concatenate3A_65 = tpu.concatenate %get3A_8, %add3A_62 in 0 : vector<2500x128xi32>, vector<60x128xi32> -> vector<2560x128xi32>
    %swap3A_66 = arith.constant 0 : index
    %swap3A_67 = arith.constant 0 : index
    %swap3A_68 = vector.load %arg3[%swap3A_66, %swap3A_67] : memref<2560x128xi32, #tpu.memory_space<vmem>>, vector<2560x128xi32>
    tpu.vector_store %arg3[%swap3A_66, %swap3A_67], %concatenate3A_65 {strides = array<i32>} : memref<2560x128xi32, #tpu.memory_space<vmem>>, vector<2560x128xi32>,
    return
  }
}

module attributes {stable_mosaic.version = 14 : i64} {
  func.func @_table_matmul_body(%arg0: i32, %arg1: memref<2000x128xf32, #tpu.memory_space<vmem>>, %arg2: memref<8x128x128xf32, #tpu.memory_space<vmem>>, %arg3: memref<8x2000x128xf32, #tpu.memory_space<vmem>>) attributes {dimension_semantics = [#tpu.dimension_semantics<arbitrary>], iteration_bounds = array<i64: 5>, scalar_prefetch = 0 : i64, scratch_operands = 0 : i64, tpu.core_type = #tpu.core_type<tc>, window_params = [{transform_indices = @transform_0, window_bounds = array<i64: 2000, 128>}, {pipeline_mode = #tpu.pipeline_mode<synchronous>, transform_indices = @transform_1, window_bounds = array<i64: 8, 128, 128>}, {transform_indices = @transform_2, window_bounds = array<i64: 8, 2000, 128>}]} {
    %get3A = arith.constant 0 : index
    %get3A_0 = arith.constant 0 : index
    %get3A_1 = vector.load %arg1[%get3A, %get3A_0] : memref<2000x128xf32, #tpu.memory_space<vmem>>, vector<2000x128xf32>
    %get3A_2 = arith.constant 0 : index
    %get3A_3 = arith.constant 0 : index
    %get3A_4 = arith.constant 0 : index
    %get3A_5 = vector.load %arg2[%get3A_2, %get3A_3, %get3A_4] : memref<8x128x128xf32, #tpu.memory_space<vmem>>, vector<1x128x128xf32>
    %get3A_6 = vector.shape_cast %get3A_5 : vector<1x128x128xf32> to vector<128x128xf32>
    %dot_general3A = arith.constant dense<0.000000e+00> : vector<2000x128xf32>
    %dot_general3A_7 = tpu.matmul %get3A_1, %get3A_6, %dot_general3A {dimension_numbers = #tpu.dot_dimension_numbers<[1], [0], [0], [1], [0, 0, 1, 1], [], []>, transpose_lhs_hint = false} : vector<2000x128xf32>, vector<128x128xf32>, vector<2000x128xf32> -> vector<2000x128xf32>
    %swap3A = arith.constant 0 : index
    %swap3A_8 = arith.constant 0 : index
    %swap3A_9 = arith.constant 0 : index
    %swap3A_10 = vector.load %arg3[%swap3A, %swap3A_8, %swap3A_9] : memref<8x2000x128xf32, #tpu.memory_space<vmem>>, vector<1x2000x128xf32>
    %swap3A_11 = vector.shape_cast %swap3A_10 : vector<1x2000x128xf32> to vector<2000x128xf32>
    %swap3A_12 = vector.shape_cast %dot_general3A_7 : vector<2000x128xf32> to vector<1x2000x128xf32>
    tpu.vector_store %arg3[%swap3A, %swap3A_8, %swap3A_9], %swap3A_12 {strides = array<i32>} : memref<8x2000x128xf32, #tpu.memory_space<vmem>>, vector<1x2000x128xf32>,
    %get3A_13 = arith.constant 1 : index
    %get3A_14 = arith.constant 0 : index
    %get3A_15 = arith.constant 0 : index
    %get3A_16 = vector.load %arg2[%get3A_13, %get3A_14, %get3A_15] : memref<8x128x128xf32, #tpu.memory_space<vmem>>, vector<1x128x128xf32>
    %get3A_17 = vector.shape_cast %get3A_16 : vector<1x128x128xf32> to vector<128x128xf32>
    %dot_general3A_18 = arith.constant dense<0.000000e+00> : vector<2000x128xf32>
    %dot_general3A_19 = tpu.matmul %get3A_1, %get3A_17, %dot_general3A_18 {dimension_numbers = #tpu.dot_dimension_numbers<[1], [0], [0], [1], [0, 0, 1, 1], [], []>, transpose_lhs_hint = false} : vector<2000x128xf32>, vector<128x128xf32>, vector<2000x128xf32> -> vector<2000x128xf32>
    %swap3A_20 = arith.constant 1 : index
    %swap3A_21 = arith.constant 0 : index
    %swap3A_22 = arith.constant 0 : index
    %swap3A_23 = vector.load %arg3[%swap3A_20, %swap3A_21, %swap3A_22] : memref<8x2000x128xf32, #tpu.memory_space<vmem>>, vector<1x2000x128xf32>
    %swap3A_24 = vector.shape_cast %swap3A_23 : vector<1x2000x128xf32> to vector<2000x128xf32>
    %swap3A_25 = vector.shape_cast %dot_general3A_19 : vector<2000x128xf32> to vector<1x2000x128xf32>
    tpu.vector_store %arg3[%swap3A_20, %swap3A_21, %swap3A_22], %swap3A_25 {strides = array<i32>} : memref<8x2000x128xf32, #tpu.memory_space<vmem>>, vector<1x2000x128xf32>,
    %get3A_26 = arith.constant 2 : index
    %get3A_27 = arith.constant 0 : index
    %get3A_28 = arith.constant 0 : index
    %get3A_29 = vector.load %arg2[%get3A_26, %get3A_27, %get3A_28] : memref<8x128x128xf32, #tpu.memory_space<vmem>>, vector<1x128x128xf32>
    %get3A_30 = vector.shape_cast %get3A_29 : vector<1x128x128xf32> to vector<128x128xf32>
    %dot_general3A_31 = arith.constant dense<0.000000e+00> : vector<2000x128xf32>
    %dot_general3A_32 = tpu.matmul %get3A_1, %get3A_30, %dot_general3A_31 {dimension_numbers = #tpu.dot_dimension_numbers<[1], [0], [0], [1], [0, 0, 1, 1], [], []>, transpose_lhs_hint = false} : vector<2000x128xf32>, vector<128x128xf32>, vector<2000x128xf32> -> vector<2000x128xf32>
    %swap3A_33 = arith.constant 2 : index
    %swap3A_34 = arith.constant 0 : index
    %swap3A_35 = arith.constant 0 : index
    %swap3A_36 = vector.load %arg3[%swap3A_33, %swap3A_34, %swap3A_35] : memref<8x2000x128xf32, #tpu.memory_space<vmem>>, vector<1x2000x128xf32>
    %swap3A_37 = vector.shape_cast %swap3A_36 : vector<1x2000x128xf32> to vector<2000x128xf32>
    %swap3A_38 = vector.shape_cast %dot_general3A_32 : vector<2000x128xf32> to vector<1x2000x128xf32>
    tpu.vector_store %arg3[%swap3A_33, %swap3A_34, %swap3A_35], %swap3A_38 {strides = array<i32>} : memref<8x2000x128xf32, #tpu.memory_space<vmem>>, vector<1x2000x128xf32>,
    %get3A_39 = arith.constant 3 : index
    %get3A_40 = arith.constant 0 : index
    %get3A_41 = arith.constant 0 : index
    %get3A_42 = vector.load %arg2[%get3A_39, %get3A_40, %get3A_41] : memref<8x128x128xf32, #tpu.memory_space<vmem>>, vector<1x128x128xf32>
    %get3A_43 = vector.shape_cast %get3A_42 : vector<1x128x128xf32> to vector<128x128xf32>
    %dot_general3A_44 = arith.constant dense<0.000000e+00> : vector<2000x128xf32>
    %dot_general3A_45 = tpu.matmul %get3A_1, %get3A_43, %dot_general3A_44 {dimension_numbers = #tpu.dot_dimension_numbers<[1], [0], [0], [1], [0, 0, 1, 1], [], []>, transpose_lhs_hint = false} : vector<2000x128xf32>, vector<128x128xf32>, vector<2000x128xf32> -> vector<2000x128xf32>
    %swap3A_46 = arith.constant 3 : index
    %swap3A_47 = arith.constant 0 : index
    %swap3A_48 = arith.constant 0 : index
    %swap3A_49 = vector.load %arg3[%swap3A_46, %swap3A_47, %swap3A_48] : memref<8x2000x128xf32, #tpu.memory_space<vmem>>, vector<1x2000x128xf32>
    %swap3A_50 = vector.shape_cast %swap3A_49 : vector<1x2000x128xf32> to vector<2000x128xf32>
    %swap3A_51 = vector.shape_cast %dot_general3A_45 : vector<2000x128xf32> to vector<1x2000x128xf32>
    tpu.vector_store %arg3[%swap3A_46, %swap3A_47, %swap3A_48], %swap3A_51 {strides = array<i32>} : memref<8x2000x128xf32, #tpu.memory_space<vmem>>, vector<1x2000x128xf32>,
    %get3A_52 = arith.constant 4 : index
    %get3A_53 = arith.constant 0 : index
    %get3A_54 = arith.constant 0 : index
    %get3A_55 = vector.load %arg2[%get3A_52, %get3A_53, %get3A_54] : memref<8x128x128xf32, #tpu.memory_space<vmem>>, vector<1x128x128xf32>
    %get3A_56 = vector.shape_cast %get3A_55 : vector<1x128x128xf32> to vector<128x128xf32>
    %dot_general3A_57 = arith.constant dense<0.000000e+00> : vector<2000x128xf32>
    %dot_general3A_58 = tpu.matmul %get3A_1, %get3A_56, %dot_general3A_57 {dimension_numbers = #tpu.dot_dimension_numbers<[1], [0], [0], [1], [0, 0, 1, 1], [], []>, transpose_lhs_hint = false} : vector<2000x128xf32>, vector<128x128xf32>, vector<2000x128xf32> -> vector<2000x128xf32>
    %swap3A_59 = arith.constant 4 : index
    %swap3A_60 = arith.constant 0 : index
    %swap3A_61 = arith.constant 0 : index
    %swap3A_62 = vector.load %arg3[%swap3A_59, %swap3A_60, %swap3A_61] : memref<8x2000x128xf32, #tpu.memory_space<vmem>>, vector<1x2000x128xf32>
    %swap3A_63 = vector.shape_cast %swap3A_62 : vector<1x2000x128xf32> to vector<2000x128xf32>
    %swap3A_64 = vector.shape_cast %dot_general3A_58 : vector<2000x128xf32> to vector<1x2000x128xf32>
    tpu.vector_store %arg3[%swap3A_59, %swap3A_60, %swap3A_61], %swap3A_64 {strides = array<i32>} : memref<8x2000x128xf32, #tpu.memory_space<vmem>>, vector<1x2000x128xf32>,
    %get3A_65 = arith.constant 5 : index
    %get3A_66 = arith.constant 0 : index
    %get3A_67 = arith.constant 0 : index
    %get3A_68 = vector.load %arg2[%get3A_65, %get3A_66, %get3A_67] : memref<8x128x128xf32, #tpu.memory_space<vmem>>, vector<1x128x128xf32>
    %get3A_69 = vector.shape_cast %get3A_68 : vector<1x128x128xf32> to vector<128x128xf32>
    %dot_general3A_70 = arith.constant dense<0.000000e+00> : vector<2000x128xf32>
    %dot_general3A_71 = tpu.matmul %get3A_1, %get3A_69, %dot_general3A_70 {dimension_numbers = #tpu.dot_dimension_numbers<[1], [0], [0], [1], [0, 0, 1, 1], [], []>, transpose_lhs_hint = false} : vector<2000x128xf32>, vector<128x128xf32>, vector<2000x128xf32> -> vector<2000x128xf32>
    %swap3A_72 = arith.constant 5 : index
    %swap3A_73 = arith.constant 0 : index
    %swap3A_74 = arith.constant 0 : index
    %swap3A_75 = vector.load %arg3[%swap3A_72, %swap3A_73, %swap3A_74] : memref<8x2000x128xf32, #tpu.memory_space<vmem>>, vector<1x2000x128xf32>
    %swap3A_76 = vector.shape_cast %swap3A_75 : vector<1x2000x128xf32> to vector<2000x128xf32>
    %swap3A_77 = vector.shape_cast %dot_general3A_71 : vector<2000x128xf32> to vector<1x2000x128xf32>
    tpu.vector_store %arg3[%swap3A_72, %swap3A_73, %swap3A_74], %swap3A_77 {strides = array<i32>} : memref<8x2000x128xf32, #tpu.memory_space<vmem>>, vector<1x2000x128xf32>,
    %get3A_78 = arith.constant 6 : index
    %get3A_79 = arith.constant 0 : index
    %get3A_80 = arith.constant 0 : index
    %get3A_81 = vector.load %arg2[%get3A_78, %get3A_79, %get3A_80] : memref<8x128x128xf32, #tpu.memory_space<vmem>>, vector<1x128x128xf32>
    %get3A_82 = vector.shape_cast %get3A_81 : vector<1x128x128xf32> to vector<128x128xf32>
    %dot_general3A_83 = arith.constant dense<0.000000e+00> : vector<2000x128xf32>
    %dot_general3A_84 = tpu.matmul %get3A_1, %get3A_82, %dot_general3A_83 {dimension_numbers = #tpu.dot_dimension_numbers<[1], [0], [0], [1], [0, 0, 1, 1], [], []>, transpose_lhs_hint = false} : vector<2000x128xf32>, vector<128x128xf32>, vector<2000x128xf32> -> vector<2000x128xf32>
    %swap3A_85 = arith.constant 6 : index
    %swap3A_86 = arith.constant 0 : index
    %swap3A_87 = arith.constant 0 : index
    %swap3A_88 = vector.load %arg3[%swap3A_85, %swap3A_86, %swap3A_87] : memref<8x2000x128xf32, #tpu.memory_space<vmem>>, vector<1x2000x128xf32>
    %swap3A_89 = vector.shape_cast %swap3A_88 : vector<1x2000x128xf32> to vector<2000x128xf32>
    %swap3A_90 = vector.shape_cast %dot_general3A_84 : vector<2000x128xf32> to vector<1x2000x128xf32>
    tpu.vector_store %arg3[%swap3A_85, %swap3A_86, %swap3A_87], %swap3A_90 {strides = array<i32>} : memref<8x2000x128xf32, #tpu.memory_space<vmem>>, vector<1x2000x128xf32>,
    %get3A_91 = arith.constant 7 : index
    %get3A_92 = arith.constant 0 : index
    %get3A_93 = arith.constant 0 : index
    %get3A_94 = vector.load %arg2[%get3A_91, %get3A_92, %get3A_93] : memref<8x128x128xf32, #tpu.memory_space<vmem>>, vector<1x128x128xf32>
    %get3A_95 = vector.shape_cast %get3A_94 : vector<1x128x128xf32> to vector<128x128xf32>
    %dot_general3A_96 = arith.constant dense<0.000000e+00> : vector<2000x128xf32>
    %dot_general3A_97 = tpu.matmul %get3A_1, %get3A_95, %dot_general3A_96 {dimension_numbers = #tpu.dot_dimension_numbers<[1], [0], [0], [1], [0, 0, 1, 1], [], []>, transpose_lhs_hint = false} : vector<2000x128xf32>, vector<128x128xf32>, vector<2000x128xf32> -> vector<2000x128xf32>
    %swap3A_98 = arith.constant 7 : index
    %swap3A_99 = arith.constant 0 : index
    %swap3A_100 = arith.constant 0 : index
    %swap3A_101 = vector.load %arg3[%swap3A_98, %swap3A_99, %swap3A_100] : memref<8x2000x128xf32, #tpu.memory_space<vmem>>, vector<1x2000x128xf32>
    %swap3A_102 = vector.shape_cast %swap3A_101 : vector<1x2000x128xf32> to vector<2000x128xf32>
    %swap3A_103 = vector.shape_cast %dot_general3A_97 : vector<2000x128xf32> to vector<1x2000x128xf32>
    tpu.vector_store %arg3[%swap3A_98, %swap3A_99, %swap3A_100], %swap3A_103 {strides = array<i32>} : memref<8x2000x128xf32, #tpu.memory_space<vmem>>, vector<1x2000x128xf32>,
    return
  }
  func.func @transform_0(%arg0: i32) -> (i32, i32) {
    %c0_i32 = arith.constant 0 : i32
    %c0_i32_0 = arith.constant 0 : i32
    return %arg0, %c0_i32 : i32, i32
  }
  func.func @transform_1(%arg0: i32) -> (i32, i32, i32) {
    %c0_i32 = arith.constant 0 : i32
    %c0_i32_0 = arith.constant 0 : i32
    %c0_i32_1 = arith.constant 0 : i32
    %c0_i32_2 = arith.constant 0 : i32
    return %c0_i32, %c0_i32_0, %c0_i32_1 : i32, i32, i32
  }
  func.func @transform_2(%arg0: i32) -> (i32, i32, i32) {
    %c0_i32 = arith.constant 0 : i32
    %c0_i32_0 = arith.constant 0 : i32
    %c0_i32_1 = arith.constant 0 : i32
    return %c0_i32, %arg0, %c0_i32_0 : i32, i32, i32
  }
}

module attributes {stable_mosaic.version = 14 : i64} {
  func.func @_tail_body(%arg0: i32, %arg1: memref<1x2000x128xf32, #tpu.memory_space<vmem>>, %arg2: memref<1x2000x128xf32, #tpu.memory_space<vmem>>, %arg3: memref<2000x128xf32, #tpu.memory_space<vmem>>, %arg4: memref<2000x128xf32, #tpu.memory_space<vmem>>, %arg5: memref<2000x128xf32, #tpu.memory_space<vmem>>, %arg6: memref<128x128xf32, #tpu.memory_space<vmem>>, %arg7: memref<384x128xf32, #tpu.memory_space<vmem>>, %arg8: memref<128x384xf32, #tpu.memory_space<vmem>>, %arg9: memref<128x384xf32, #tpu.memory_space<vmem>>, %arg10: memref<1x128xf32, #tpu.memory_space<vmem>>, %arg11: memref<1x128xf32, #tpu.memory_space<vmem>>, %arg12: memref<1x384xf32, #tpu.memory_space<vmem>>, %arg13: memref<1x384xf32, #tpu.memory_space<vmem>>, %arg14: memref<2000x128xf32, #tpu.memory_space<vmem>>, %arg15: memref<2000x128xf32, #tpu.memory_space<vmem>>) attributes {dimension_semantics = [#tpu.dimension_semantics<arbitrary>], iteration_bounds = array<i64: 5>, scalar_prefetch = 0 : i64, scratch_operands = 0 : i64, tpu.core_type = #tpu.core_type<tc>, window_params = [{transform_indices = @transform_0, window_bounds = array<i64: 1, 2000, 128>}, {transform_indices = @transform_1, window_bounds = array<i64: 1, 2000, 128>}, {transform_indices = @transform_2, window_bounds = array<i64: 2000, 128>}, {transform_indices = @transform_3, window_bounds = array<i64: 2000, 128>}, {transform_indices = @transform_4, window_bounds = array<i64: 2000, 128>}, {pipeline_mode = #tpu.pipeline_mode<synchronous>, transform_indices = @transform_5, window_bounds = array<i64: 128, 128>}, {pipeline_mode = #tpu.pipeline_mode<synchronous>, transform_indices = @transform_6, window_bounds = array<i64: 384, 128>}, {pipeline_mode = #tpu.pipeline_mode<synchronous>, transform_indices = @transform_7, window_bounds = array<i64: 128, 384>}, {pipeline_mode = #tpu.pipeline_mode<synchronous>, transform_indices = @transform_8, window_bounds = array<i64: 128, 384>}, {pipeline_mode = #tpu.pipeline_mode<synchronous>, transform_indices = @transform_9, window_bounds = array<i64: 1, 128>}, {pipeline_mode = #tpu.pipeline_mode<synchronous>, transform_indices = @transform_10, window_bounds = array<i64: 1, 128>}, {pipeline_mode = #tpu.pipeline_mode<synchronous>, transform_indices = @transform_11, window_bounds = array<i64: 1, 384>}, {pipeline_mode = #tpu.pipeline_mode<synchronous>, transform_indices = @transform_12, window_bounds = array<i64: 1, 384>}, {transform_indices = @transform_13, window_bounds = array<i64: 2000, 128>}, {transform_indices = @transform_14, window_bounds = array<i64: 2000, 128>}]} {
    %get3A = arith.constant 0 : index
    %get3A_0 = arith.constant 0 : index
    %get3A_1 = vector.load %arg4[%get3A, %get3A_0] : memref<2000x128xf32, #tpu.memory_space<vmem>>, vector<2000x128xf32>
    %get3A_2 = arith.constant 0 : index
    %get3A_3 = arith.constant 0 : index
    %get3A_4 = vector.load %arg5[%get3A_2, %get3A_3] : memref<2000x128xf32, #tpu.memory_space<vmem>>, vector<2000x128xf32>
    %get3A_5 = arith.constant 0 : index
    %get3A_6 = arith.constant 0 : index
    %get3A_7 = arith.constant 0 : index
    %get3A_8 = vector.load %arg1[%get3A_5, %get3A_6, %get3A_7] : memref<1x2000x128xf32, #tpu.memory_space<vmem>>, vector<1x2000x128xf32>
    %get3A_9 = vector.shape_cast %get3A_8 : vector<1x2000x128xf32> to vector<2000x128xf32>
    %get3A_10 = arith.constant 0 : index
    %get3A_11 = arith.constant 0 : index
    %get3A_12 = arith.constant 0 : index
    %get3A_13 = vector.load %arg2[%get3A_10, %get3A_11, %get3A_12] : memref<1x2000x128xf32, #tpu.memory_space<vmem>>, vector<1x2000x128xf32>
    %get3A_14 = vector.shape_cast %get3A_13 : vector<1x2000x128xf32> to vector<2000x128xf32>
    %add3A = arith.addf %get3A_9, %get3A_14 : vector<2000x128xf32>
    %get3A_15 = arith.constant 0 : index
    %get3A_16 = arith.constant 0 : index
    %get3A_17 = vector.load %arg3[%get3A_15, %get3A_16] : memref<2000x128xf32, #tpu.memory_space<vmem>>, vector<2000x128xf32>
    %get3A_18 = arith.constant 0 : index
    %get3A_19 = arith.constant 0 : index
    %get3A_20 = vector.load %arg6[%get3A_18, %get3A_19] : memref<128x128xf32, #tpu.memory_space<vmem>>, vector<128x128xf32>
    %dot_general3A = arith.constant dense<0.000000e+00> : vector<2000x128xf32>
    %dot_general3A_21 = tpu.matmul %get3A_17, %get3A_20, %dot_general3A {dimension_numbers = #tpu.dot_dimension_numbers<[1], [0], [0], [1], [0, 0, 1, 1], [], []>, transpose_lhs_hint = false} : vector<2000x128xf32>, vector<128x128xf32>, vector<2000x128xf32> -> vector<2000x128xf32>
    %add3A_22 = arith.addf %add3A, %dot_general3A_21 : vector<2000x128xf32>
    %get3A_23 = arith.constant 0 : index
    %get3A_24 = arith.constant 0 : index
    %get3A_25 = vector.load %arg10[%get3A_23, %get3A_24] : memref<1x128xf32, #tpu.memory_space<vmem>>, vector<1x128xf32>
    %add3A_26 = vector.broadcast %get3A_25 : vector<1x128xf32> to vector<2000x128xf32>
    %add3A_27 = arith.addf %add3A_22, %add3A_26 : vector<2000x128xf32>
    %get3A_28 = arith.constant 0 : index
    %get3A_29 = arith.constant 0 : index
    %get3A_30 = vector.load %arg7[%get3A_28, %get3A_29] : memref<384x128xf32, #tpu.memory_space<vmem>>, vector<384x128xf32>
    %slice3A = vector.extract_strided_slice %get3A_30 {offsets = [0, 0], sizes = [128, 128], strides = [1, 1]} : vector<384x128xf32> to vector<128x128xf32>
    %dot_general3A_31 = arith.constant dense<0.000000e+00> : vector<2000x128xf32>
    %dot_general3A_32 = tpu.matmul %add3A_27, %slice3A, %dot_general3A_31 {dimension_numbers = #tpu.dot_dimension_numbers<[1], [0], [0], [1], [0, 0, 1, 1], [], []>, transpose_lhs_hint = false} : vector<2000x128xf32>, vector<128x128xf32>, vector<2000x128xf32> -> vector<2000x128xf32>
    %slice3A_33 = vector.extract_strided_slice %get3A_30 {offsets = [128, 0], sizes = [128, 128], strides = [1, 1]} : vector<384x128xf32> to vector<128x128xf32>
    %dot_general3A_34 = arith.constant dense<0.000000e+00> : vector<2000x128xf32>
    %dot_general3A_35 = tpu.matmul %get3A_1, %slice3A_33, %dot_general3A_34 {dimension_numbers = #tpu.dot_dimension_numbers<[1], [0], [0], [1], [0, 0, 1, 1], [], []>, transpose_lhs_hint = false} : vector<2000x128xf32>, vector<128x128xf32>, vector<2000x128xf32> -> vector<2000x128xf32>
    %add3A_36 = arith.addf %dot_general3A_32, %dot_general3A_35 : vector<2000x128xf32>
    %slice3A_37 = vector.extract_strided_slice %get3A_30 {offsets = [256, 0], sizes = [128, 128], strides = [1, 1]} : vector<384x128xf32> to vector<128x128xf32>
    %dot_general3A_38 = arith.constant dense<0.000000e+00> : vector<2000x128xf32>
    %dot_general3A_39 = tpu.matmul %get3A_4, %slice3A_37, %dot_general3A_38 {dimension_numbers = #tpu.dot_dimension_numbers<[1], [0], [0], [1], [0, 0, 1, 1], [], []>, transpose_lhs_hint = false} : vector<2000x128xf32>, vector<128x128xf32>, vector<2000x128xf32> -> vector<2000x128xf32>
    %add3A_40 = arith.addf %add3A_36, %dot_general3A_39 : vector<2000x128xf32>
    %get3A_41 = arith.constant 0 : index
    %get3A_42 = arith.constant 0 : index
    %get3A_43 = vector.load %arg11[%get3A_41, %get3A_42] : memref<1x128xf32, #tpu.memory_space<vmem>>, vector<1x128xf32>
    %add3A_44 = vector.broadcast %get3A_43 : vector<1x128xf32> to vector<2000x128xf32>
    %add3A_45 = arith.addf %add3A_40, %add3A_44 : vector<2000x128xf32>
    %logistic3A = arith.negf %add3A_45 : vector<2000x128xf32>
    %logistic3A_46 = math.exp %logistic3A : vector<2000x128xf32>
    %logistic3A_47 = arith.constant 1.000000e+00 : f32
    %logistic3A_48 = vector.broadcast %logistic3A_47 : f32 to vector<2000x128xf32>
    %logistic3A_49 = arith.addf %logistic3A_48, %logistic3A_46 : vector<2000x128xf32>
    %logistic3A_50 = arith.divf %logistic3A_48, %logistic3A_49 : vector<2000x128xf32>
    %mul3A = arith.mulf %logistic3A_50, %get3A_1 : vector<2000x128xf32>
    %sub3A = arith.constant 1.000000e+00 : f32
    %sub3A_51 = vector.broadcast %sub3A : f32 to vector<2000x128xf32>
    %sub3A_52 = arith.subf %sub3A_51, %logistic3A_50 : vector<2000x128xf32>
    %mul3A_53 = arith.mulf %sub3A_52, %get3A_4 : vector<2000x128xf32>
    %add3A_54 = arith.addf %mul3A, %mul3A_53 : vector<2000x128xf32>
    %get3A_55 = arith.constant 0 : index
    %get3A_56 = arith.constant 0 : index
    %get3A_57 = vector.load %arg8[%get3A_55, %get3A_56] : memref<128x384xf32, #tpu.memory_space<vmem>>, vector<128x384xf32>
    %dot_general3A_58 = arith.constant dense<0.000000e+00> : vector<2000x384xf32>
    %dot_general3A_59 = tpu.matmul %add3A_27, %get3A_57, %dot_general3A_58 {dimension_numbers = #tpu.dot_dimension_numbers<[1], [0], [0], [1], [0, 0, 1, 1], [], []>, transpose_lhs_hint = false} : vector<2000x128xf32>, vector<128x384xf32>, vector<2000x384xf32> -> vector<2000x384xf32>
    %get3A_60 = arith.constant 0 : index
    %get3A_61 = arith.constant 0 : index
    %get3A_62 = vector.load %arg12[%get3A_60, %get3A_61] : memref<1x384xf32, #tpu.memory_space<vmem>>, vector<1x384xf32>
    %add3A_63 = vector.broadcast %get3A_62 : vector<1x384xf32> to vector<2000x384xf32>
    %add3A_64 = arith.addf %dot_general3A_59, %add3A_63 : vector<2000x384xf32>
    %get3A_65 = arith.constant 0 : index
    %get3A_66 = arith.constant 0 : index
    %get3A_67 = vector.load %arg9[%get3A_65, %get3A_66] : memref<128x384xf32, #tpu.memory_space<vmem>>, vector<128x384xf32>
    %dot_general3A_68 = arith.constant dense<0.000000e+00> : vector<2000x384xf32>
    %dot_general3A_69 = tpu.matmul %add3A_54, %get3A_67, %dot_general3A_68 {dimension_numbers = #tpu.dot_dimension_numbers<[1], [0], [0], [1], [0, 0, 1, 1], [], []>, transpose_lhs_hint = false} : vector<2000x128xf32>, vector<128x384xf32>, vector<2000x384xf32> -> vector<2000x384xf32>
    %get3A_70 = arith.constant 0 : index
    %get3A_71 = arith.constant 0 : index
    %get3A_72 = vector.load %arg13[%get3A_70, %get3A_71] : memref<1x384xf32, #tpu.memory_space<vmem>>, vector<1x384xf32>
    %add3A_73 = vector.broadcast %get3A_72 : vector<1x384xf32> to vector<2000x384xf32>
    %add3A_74 = arith.addf %dot_general3A_69, %add3A_73 : vector<2000x384xf32>
    %slice3A_75 = vector.extract_strided_slice %add3A_64 {offsets = [0, 0], sizes = [2000, 128], strides = [1, 1]} : vector<2000x384xf32> to vector<2000x128xf32>
    %slice3A_76 = vector.extract_strided_slice %add3A_74 {offsets = [0, 0], sizes = [2000, 128], strides = [1, 1]} : vector<2000x384xf32> to vector<2000x128xf32>
    %add3A_77 = arith.addf %slice3A_75, %slice3A_76 : vector<2000x128xf32>
    %logistic3A_78 = arith.negf %add3A_77 : vector<2000x128xf32>
    %logistic3A_79 = math.exp %logistic3A_78 : vector<2000x128xf32>
    %logistic3A_80 = arith.constant 1.000000e+00 : f32
    %logistic3A_81 = vector.broadcast %logistic3A_80 : f32 to vector<2000x128xf32>
    %logistic3A_82 = arith.addf %logistic3A_81, %logistic3A_79 : vector<2000x128xf32>
    %logistic3A_83 = arith.divf %logistic3A_81, %logistic3A_82 : vector<2000x128xf32>
    %slice3A_84 = vector.extract_strided_slice %add3A_64 {offsets = [0, 128], sizes = [2000, 128], strides = [1, 1]} : vector<2000x384xf32> to vector<2000x128xf32>
    %slice3A_85 = vector.extract_strided_slice %add3A_74 {offsets = [0, 128], sizes = [2000, 128], strides = [1, 1]} : vector<2000x384xf32> to vector<2000x128xf32>
    %add3A_86 = arith.addf %slice3A_84, %slice3A_85 : vector<2000x128xf32>
    %logistic3A_87 = arith.negf %add3A_86 : vector<2000x128xf32>
    %logistic3A_88 = math.exp %logistic3A_87 : vector<2000x128xf32>
    %logistic3A_89 = arith.constant 1.000000e+00 : f32
    %logistic3A_90 = vector.broadcast %logistic3A_89 : f32 to vector<2000x128xf32>
    %logistic3A_91 = arith.addf %logistic3A_90, %logistic3A_88 : vector<2000x128xf32>
    %logistic3A_92 = arith.divf %logistic3A_90, %logistic3A_91 : vector<2000x128xf32>
    %slice3A_93 = vector.extract_strided_slice %add3A_64 {offsets = [0, 256], sizes = [2000, 128], strides = [1, 1]} : vector<2000x384xf32> to vector<2000x128xf32>
    %slice3A_94 = vector.extract_strided_slice %add3A_74 {offsets = [0, 256], sizes = [2000, 128], strides = [1, 1]} : vector<2000x384xf32> to vector<2000x128xf32>
    %mul3A_95 = arith.mulf %logistic3A_83, %slice3A_94 : vector<2000x128xf32>
    %add3A_96 = arith.addf %slice3A_93, %mul3A_95 : vector<2000x128xf32>
    %tanh3A = math.tanh %add3A_96 : vector<2000x128xf32>
    %sub3A_97 = arith.constant 1.000000e+00 : f32
    %sub3A_98 = vector.broadcast %sub3A_97 : f32 to vector<2000x128xf32>
    %sub3A_99 = arith.subf %sub3A_98, %logistic3A_92 : vector<2000x128xf32>
    %mul3A_100 = arith.mulf %sub3A_99, %tanh3A : vector<2000x128xf32>
    %mul3A_101 = arith.mulf %logistic3A_92, %add3A_54 : vector<2000x128xf32>
    %add3A_102 = arith.addf %mul3A_100, %mul3A_101 : vector<2000x128xf32>
    %max3A = arith.constant 0.000000e+00 : f32
    %max3A_103 = vector.broadcast %max3A : f32 to vector<2000x128xf32>
    %max3A_104 = arith.maximumf %add3A_102, %max3A_103 : vector<2000x128xf32>
    %swap3A = arith.constant 0 : index
    %swap3A_105 = arith.constant 0 : index
    %swap3A_106 = vector.load %arg14[%swap3A, %swap3A_105] : memref<2000x128xf32, #tpu.memory_space<vmem>>, vector<2000x128xf32>
    tpu.vector_store %arg14[%swap3A, %swap3A_105], %max3A_104 {strides = array<i32>} : memref<2000x128xf32, #tpu.memory_space<vmem>>, vector<2000x128xf32>,
    %swap3A_107 = arith.constant 0 : index
    %swap3A_108 = arith.constant 0 : index
    %swap3A_109 = vector.load %arg15[%swap3A_107, %swap3A_108] : memref<2000x128xf32, #tpu.memory_space<vmem>>, vector<2000x128xf32>
    tpu.vector_store %arg15[%swap3A_107, %swap3A_108], %logistic3A_50 {strides = array<i32>} : memref<2000x128xf32, #tpu.memory_space<vmem>>, vector<2000x128xf32>,
    return
  }
  func.func @transform_0(%arg0: i32) -> (i32, i32, i32) {
    %c0_i32 = arith.constant 0 : i32
    %c0_i32_0 = arith.constant 0 : i32
    %c0_i32_1 = arith.constant 0 : i32
    return %c0_i32, %arg0, %c0_i32_0 : i32, i32, i32
  }
  func.func @transform_1(%arg0: i32) -> (i32, i32, i32) {
    %c1_i32 = arith.constant 1 : i32
    %c0_i32 = arith.constant 0 : i32
    %c0_i32_0 = arith.constant 0 : i32
    return %c1_i32, %arg0, %c0_i32 : i32, i32, i32
  }
  func.func @transform_2(%arg0: i32) -> (i32, i32) {
    %c0_i32 = arith.constant 0 : i32
    %c0_i32_0 = arith.constant 0 : i32
    return %arg0, %c0_i32 : i32, i32
  }
  func.func @transform_3(%arg0: i32) -> (i32, i32) {
    %c0_i32 = arith.constant 0 : i32
    %c0_i32_0 = arith.constant 0 : i32
    return %arg0, %c0_i32 : i32, i32
  }
  func.func @transform_4(%arg0: i32) -> (i32, i32) {
    %c0_i32 = arith.constant 0 : i32
    %c0_i32_0 = arith.constant 0 : i32
    return %arg0, %c0_i32 : i32, i32
  }
  func.func @transform_5(%arg0: i32) -> (i32, i32) {
    %c0_i32 = arith.constant 0 : i32
    %c0_i32_0 = arith.constant 0 : i32
    %c0_i32_1 = arith.constant 0 : i32
    return %c0_i32, %c0_i32_0 : i32, i32
  }
  func.func @transform_6(%arg0: i32) -> (i32, i32) {
    %c0_i32 = arith.constant 0 : i32
    %c0_i32_0 = arith.constant 0 : i32
    %c0_i32_1 = arith.constant 0 : i32
    return %c0_i32, %c0_i32_0 : i32, i32
  }
  func.func @transform_7(%arg0: i32) -> (i32, i32) {
    %c0_i32 = arith.constant 0 : i32
    %c0_i32_0 = arith.constant 0 : i32
    %c0_i32_1 = arith.constant 0 : i32
    return %c0_i32, %c0_i32_0 : i32, i32
  }
  func.func @transform_8(%arg0: i32) -> (i32, i32) {
    %c0_i32 = arith.constant 0 : i32
    %c0_i32_0 = arith.constant 0 : i32
    %c0_i32_1 = arith.constant 0 : i32
    return %c0_i32, %c0_i32_0 : i32, i32
  }
  func.func @transform_9(%arg0: i32) -> (i32, i32) {
    %c0_i32 = arith.constant 0 : i32
    %c0_i32_0 = arith.constant 0 : i32
    %c0_i32_1 = arith.constant 0 : i32
    return %c0_i32, %c0_i32_0 : i32, i32
  }
  func.func @transform_10(%arg0: i32) -> (i32, i32) {
    %c0_i32 = arith.constant 0 : i32
    %c0_i32_0 = arith.constant 0 : i32
    %c0_i32_1 = arith.constant 0 : i32
    return %c0_i32, %c0_i32_0 : i32, i32
  }
  func.func @transform_11(%arg0: i32) -> (i32, i32) {
    %c0_i32 = arith.constant 0 : i32
    %c0_i32_0 = arith.constant 0 : i32
    %c0_i32_1 = arith.constant 0 : i32
    return %c0_i32, %c0_i32_0 : i32, i32
  }
  func.func @transform_12(%arg0: i32) -> (i32, i32) {
    %c0_i32 = arith.constant 0 : i32
    %c0_i32_0 = arith.constant 0 : i32
    %c0_i32_1 = arith.constant 0 : i32
    return %c0_i32, %c0_i32_0 : i32, i32
  }
  func.func @transform_13(%arg0: i32) -> (i32, i32) {
    %c0_i32 = arith.constant 0 : i32
    %c0_i32_0 = arith.constant 0 : i32
    return %arg0, %c0_i32 : i32, i32
  }
  func.func @transform_14(%arg0: i32) -> (i32, i32) {
    %c0_i32 = arith.constant 0 : i32
    %c0_i32_0 = arith.constant 0 : i32
    return %arg0, %c0_i32 : i32, i32
  }
}

</mosaic_0001>

<sc_bundles>
// kernel: kernel.6.cloned.1.call-start
scs
__scs_entry_jumppad:
0x0: {  	(pc) =	sbr.rel $0x88, $3  }
0x1: {  	(tag) =	ssettag $0x0;
	lr =	simm.s32 $0x1  }
0x2: {  	[smem:$0x3F93] =	sst lr;
	_ =	strace $0xD0000000  }
0x3: {  	_ = 	snop  }
0x4: {  	_ = 	snop  }
0x5: {  	_ = 	snop  }
0x6: {  	_ = 	snop  }
0x7: {  	_ = 	snop  }
__scs_overlays_trampoline_lowered:
0x8: {  	[smem:$0x3FA2] =	sst s0  }
0x9: {  	[smem:$0x3FA3] =	sst s1  }
0xa: {  	[smem:$0x3FA4] =	sst s2  }
0xb: {  	[smem:$0x3FA5] =	sst s3  }
0xc: {  	[smem:$0x3FA6] =	sst s4  }
0xd: {  	[smem:$0x3FA7] =	sst s5  }
0xe: {  	[smem:$0x3FA8] =	sst s6  }
0xf: {  	[smem:$0x3FA9] =	sst s7  }
0x10: {  	[smem:$0x3FAA] =	sst s8  }
0x11: {  	[smem:$0x3FAB] =	sst s9;
	s0 =	simm.s32 @!p0 $0x0  }
0x12: {  	s1 =	sld [smem:$0x3F91];
	s0 =	simm.s32 @p0 $0x1  }
0x13: {  	[smem:$0x3FAC] =	sst s0;
	s0 =	simm.s32 @!p1 $0x0  }
0x14: {  	s2 =	sld [smem:$0x3F90];
	s0 =	simm.s32 @p1 $0x1  }
0x15: {  	[smem:$0x3FAD] =	sst s0;
	s0 =	simm.s32 @!p2 $0x0  }
0x16: {  	s3 =	sld [smem:$0x3FDB];
	s0 =	simm.s32 @p2 $0x1  }
0x17: {  	s4 =	simm.s32 $0x1BF5;
	[smem:$0x3FAF] =	sst s0  }
0x18: {  	s0 =	sld [smem:$0x3F92];
	_ =	swait.ge [sflag:s4], $0x0  }
0x19: {  	s7 =	sld [smem:$0x3F93]  }
0x1a: {  	s8 =	sadd.s32 $0xFFFFE003, lr  }
0x1b: {  	s9 =	sadd.s32 $0xFFFFFEF7, lr;
	s5 =	simm.s32 $0xFFFFFFFF;
	p2 =	slt.u32 s8, $0xFFFFF086  }
0x1c: {  	p1 =	slt.u32 s9, $0xF7A;
	s5 =	simm.s32 @!p2 $0x0  }
0x1d: {  	s5 =	simm.s32 @p1 $0x1;
	p0 =	seq.s32 s7, s2  }
0x1e: {  	s7 =	smul.u32 @!p0 $0xF7A, s2;
	p2 =	seq.s32 @!p0 s5, $0x0  }
0x1f: {  	s9 =	smul.u32 $0xF7A, s1;
	s8 =	simm.s32 @!p0 $0x1BF5;
	p2 =	por !p2, p0  }
0x20: {  	[sflag:s8] =	ssyncset.s32 @!p0 $0xFFFFF086;
	s6 =	sadd.s32 @!p0 s3, s7;
	s7 =	simm.s32 @!p0 $0x108  }
0x21: {  	s3 =	sadd.s32 s3, s9;
	s6 =	sadd.s32 @!p0 $0x88, s6;
	s7 =	simm.s32 @p2 $0x1082  }
0x22: {  	[simem:s7], [sflag:s8] =	dma.local @!p0 [hbm:s6], $0xF7A  }
0x23: {  	s9 =	sor.u32 $0xD0000000, s2;
	s6 =	simm.s32 $0x108;
	_ =	swait.ge @!p0 [sflag:s8], $0x0  }
0x24: {  	s3 =	sadd.s32 $0x88, s3;
	s6 =	simm.s32 @!p1 $0x1082;
	[sflag:s4] =	ssyncset.s32 $0xFFFFF086  }
0x25: {  	[simem:s6], [sflag:s4] =	dma.local [hbm:s3], $0xF7A  }
0x26: {  	[smem:$0x3F93] =	sst s1;
	(tag) =	ssettag s2;
	_ =	strace s9  }
0x27: {  	s1 =	sld [smem:$0x3FA3]  }
0x28: {  	s2 =	sld [smem:$0x3FA4]  }
0x29: {  	s4 =	sld [smem:$0x3FA6]  }
0x2a: {  	p0 =	seq.s32 s5, $0x0;
	s5 =	sld [smem:$0x3FA7]  }
0x2b: {  	s6 =	sld [smem:$0x3FA8]  }
0x2c: {  	s7 =	sld [smem:$0x3FA9]  }
0x2d: {  	s3 =	simm.s32 $0x108;
	s8 =	sld [smem:$0x3FAA]  }
0x2e: {  	s3 =	simm.s32 @!p0 $0x1082;
	s9 =	sld [smem:$0x3FAB]  }
0x2f: {  	lr =	sadd.s32 s0, s3;
	s0 =	sld [smem:$0x3FA2]  }
0x30: {  	s3 =	sld [smem:$0x3FA5]  }
0x31: {  	[smem:$0x3FAE] =	sst s10  }
0x32: {  	s10 =	sld [smem:$0x3FAC];
	_ =	sdelay $0x3  }
0x33: {  	p0 =	seq.s32 s10, $0x1;
	s10 =	sld [smem:$0x3FAE];
	_ =	sdelay $0x3  }
0x34: {  	[smem:$0x3FAE] =	sst s10  }
0x35: {  	s10 =	sld [smem:$0x3FAD];
	_ =	sdelay $0x3  }
0x36: {  	p1 =	seq.s32 s10, $0x1;
	s10 =	sld [smem:$0x3FAE];
	_ =	sdelay $0x3  }
0x37: {  	[smem:$0x3FAE] =	sst s10  }
0x38: {  	s10 =	sld [smem:$0x3FAF]  }
0x39: {  	_ = 	snop;
	(pc) =	sbr.ind lr, $3  }
0x3a: {  	_ = 	snop  }
0x3b: {  	_ = 	snop  }
0x3c: {  	p2 =	seq.s32 s10, $0x1;
	s10 =	sld [smem:$0x3FAE]  }
0x3d: {  	_ =	shalt  }
0x3e: {  	_ =	shalt  }
0x3f: {  	_ =	shalt  }
0x40: {  	_ =	shalt  }
0x41: {  	_ =	shalt  }
0x42: {  	_ =	shalt  }
0x43: {  	_ =	shalt  }
0x44: {  	_ =	shalt  }
0x45: {  	_ =	shalt  }
0x46: {  	_ =	shalt  }
0x47: {  	_ =	shalt  }
0x48: {  	_ =	shalt  }
0x49: {  	_ =	shalt  }
0x4a: {  	_ =	shalt  }
0x4b: {  	_ =	shalt  }
0x4c: {  	_ =	shalt  }
0x4d: {  	_ =	shalt  }
0x4e: {  	_ =	shalt  }
0x4f: {  	_ =	shalt  }
0x50: {  	_ =	shalt  }
0x51: {  	_ =	shalt  }
0x52: {  	_ =	shalt  }
0x53: {  	_ =	shalt  }
0x54: {  	_ =	shalt  }
0x55: {  	_ =	shalt  }
0x56: {  	_ =	shalt  }
0x57: {  	_ =	shalt  }
0x58: {  	_ =	shalt  }
0x59: {  	_ =	shalt  }
0x5a: {  	_ =	shalt  }
0x5b: {  	_ =	shalt  }
0x5c: {  	_ =	shalt  }
0x5d: {  	_ =	shalt  }
0x5e: {  	_ =	shalt  }
0x5f: {  	_ =	shalt  }
0x60: {  	_ =	shalt  }
0x61: {  	_ =	shalt  }
0x62: {  	_ =	shalt  }
0x63: {  	_ =	shalt  }
0x64: {  	_ =	shalt  }
0x65: {  	_ =	shalt  }
0x66: {  	_ =	shalt  }
0x67: {  	_ =	shalt  }
0x68: {  	_ =	shalt  }
0x69: {  	_ =	shalt  }
0x6a: {  	_ =	shalt  }
0x6b: {  	_ =	shalt  }
0x6c: {  	_ =	shalt  }
0x6d: {  	_ =	shalt  }
0x6e: {  	_ =	shalt  }
0x6f: {  	_ =	shalt  }
0x70: {  	_ =	shalt  }
0x71: {  	_ =	shalt  }
0x72: {  	_ =	shalt  }
0x73: {  	_ =	shalt  }
0x74: {  	_ =	shalt  }
0x75: {  	_ =	shalt  }
0x76: {  	_ =	shalt  }
0x77: {  	_ =	shalt  }
0x78: {  	_ =	shalt  }
0x79: {  	_ =	shalt  }
0x7a: {  	_ =	shalt  }
0x7b: {  	_ =	shalt  }
0x7c: {  	_ =	shalt  }
0x7d: {  	_ =	shalt  }
0x7e: {  	_ =	shalt  }
0x7f: {  	_ =	shalt  }
0x80: {  	_ =	shalt  }
0x81: {  	_ =	shalt  }
0x82: {  	_ =	shalt  }
0x83: {  	_ =	shalt  }
0x84: {  	_ =	shalt  }
0x85: {  	_ =	shalt  }
0x86: {  	_ =	shalt  }
0x87: {  	_ =	shalt  }
.Lfunc_end0:
.L_simem_size_0:
called_computation_lowered:
.L_overlay_start_0:
0x88: {  	s2 =	sld [smem:$0x3FD9]  }
0x89: {  	s3 =	sld [smem:$0x3FFE];
	_ =	sdelay $0x1  }
0x8a: {  	s1 =	srdreg.scid  }
0x8b: {  	s0 =	sand.u32 $0x1, s1  }
0x8c: {  	s14 =	sshll.u32 s0, $0xA;
	s2 =	sadd.s32 s3, s2  }
0x8d: {  	s2 =	sadd.s32 s2, s14  }
0x8e: {  	[smem:$0x3FBA] =	sst s2  }
0x8f: {  	_ = 	snop  }
0x90: {  	s2 =	sld [smem:$0x3FD0];
	_ =	sdelay $0x2  }
0x91: {  	s15 =	simm.s32 $0xA;
	s4 =	simm.s32 $0x10  }
0x92: {  	[smem:s4], [sflag:s15] =	dma.local [hbm:s2], $0x1  }
0x93: {  	_ =	swait.eq [sflag:s15], $0x1  }
0x94: {  	[sflag:s15] =	ssyncset.done $0x0  }
0x95: {  	s16 =	sld [smem:$0x10];
	[sflag:s15] =	ssyncadd.s32 $0xFFFFFFFF  }
0x96: {  	s17 =	sld [smem:$0x11];
	(tm) =	ssettm $0x1  }
0x97: {  	s18 =	sld [smem:$0x3FFB];
	_ =	sdelay $0x3  }
0x98: {  	_ =	strace s18  }
0x99: {  	s4 =	sld [smem:$0x3FFC];
	_ =	sdelay $0x3  }
0x9a: {  	_ =	strace s4  }
0x9b: {  	s4 =	sld [smem:$0x3FFD];
	_ =	sdelay $0x3  }
0x9c: {  	_ =	strace s4  }
0x9d: {  	_ =	strace $0x8FFFFFFF  }
0x9e: {  	s19 =	sld [smem:$0x3FDB];
	_ =	sdelay $0x1  }
0x9f: {  	s5 =	simm.s32 $_scs_section_size  }
0xa0: {  	s6 =	simm.s32 $_size__tile_overlayer_lowered;
	s7 =	simm.s32 $_tile_overlayer_lowered  }
0xa1: {  	s22 =	simm.s32 $0x1BFF;
	s21 =	sshll.u32 s7, $0x1;
	s4 =	sadd.s32 s5, s19  }
0xa2: {  	s8 =	simm.s32 $0x0;
	s20 =	sshll.u32 s6, $0x1;
	s6 =	sadd.s32 s21, s4  }
0xa3: {  	[timem:s8], [sflag:s22] =	dma.local [hbm:s6], s20  }
0xa4: {  	_ =	swait.ge [sflag:s22], s20  }
0xa5: {  	s5 =	ssub.s32 $0x0, s20;
	[sflag:s22] =	ssyncset.done $0x0  }
0xa6: {  	[sflag:s22] =	ssyncadd.s32 s5;
	_ =	sdelay $0x1  }
0xa7: {  	s23 =	simm.s32 $0x1B8B  }
0xa8: {  	_ =	swait.ge [sflag:s23], $0x1  }
0xa9: {  	[sflag:s23] =	ssyncset.done $0x0  }
0xaa: {  	s25 =	simm.s32 $0x1B8E;
	s24 =	sld [smem:$0x3FFE];
	[sflag:s23] =	ssyncadd.s32 $0xFFFFFFFF  }
0xab: {  	s26 =	simm.s32 $execute0_lowered;
	[smem:$0x3FD2] =	sst s25  }
0xac: {  	s6 =	sshll.u32 s26, $0x1;
	_ =	strace $0x80000046;
	[dreg:$0x1] =	wrdreg $0xFFFFFFFF  }
0xad: {  	s28 =	simm.s32 $_size_execute0_lowered;
	s4 =	sadd.s32 s4, s6;
	[dreg:$0x0] =	wrdreg $0x0  }
0xae: {  	s6 =	sshll.u32 s28, $0x1;
	[dreg:$0x2] =	wrdreg s4  }
0xaf: {  	[dreg:$0x3] =	wrdreg s6  }
0xb0: {  	[dreg:$0x4] =	wrdreg $0xC0  }
0xb1: {  	_ =	task [dreg:s8], $0x5FFFF  }
0xb2: {  	[dreg:$0x1] =	wrdreg $0xFFFFFFFF  }
0xb3: {  	[dreg:$0x0] =	wrdreg $0x60  }
0xb4: {  	[dreg:$0x2] =	wrdreg s24  }
0xb5: {  	[dreg:$0x3] =	wrdreg s17  }
0xb6: {  	[dreg:$0x4] =	wrdreg s16  }
0xb7: {  	[dreg:$0x5] =	wrdreg $0xA8000  }
0xb8: {  	[dreg:$0x6] =	wrdreg $0x9  }
0xb9: {  	_ =	task.clear_ibuf [dreg:s8], $0x7FFFF;
	_ =	strace $0x90000046  }
0xba: {  	s29 =	simm.s32 $0x9;
	_ =	strace $0x80000048  }
0xbb: {  	_ =	swait.ge [sflag:s29], $0x1  }
0xbc: {  	[sflag:s29] =	ssyncadd.s32 $0xFFFFFFFF  }
0xbd: {  	_ =	strace $0x90000048  }
0xbe: {  	_ =	sfence  }
0xbf: {  	s30 =	sld [smem:$0x0];
	_ =	sdelay $0x2  }
0xc0: {  	s31 =	sshll.u32 s1, $0xD;
	s1 =	sshrl.u32 s1, $0x2  }
0xc1: {  	s3 =	sand.u32 $0x4000, s31;
	s1 =	sadd.s32 s1, s30  }
0xc2: {  	s0 =	sor.u32 s3, s0;
	s1 =	sshll.u32 s1, $0x11  }
0xc3: {  	s0 =	sor.u32 s1, s0  }
0xc4: {  	s0 =	sadd.s32 $0x8F2B, s0  }
0xc5: {  	[sflag:s0] =	ssyncadd.remote.s32 $0x1  }
0xc6: {  	_ =	sfence.sel $0xFFFF  }
0xc7: {  	[dreg:$0x0] =	wrdreg $0xFFFFFFFF;
	(pc) =	sbr.abs _section_cstart, $3  }
0xc8: {  	[dreg:$0x1] =	wrdreg $0xFFFFFFFF  }
0xc9: {  	_ =	task.clear_ibuf [dreg:s8], $0x2FFFF;
	_ =	strace $0x9FFFFFFF  }
0xca: {  	(tm) =	ssettm $0x7FFFFFFF  }
0xcb: {  	_ =	shalt  }
tec
execute0_lowered:
.L_overlay_start_1:
0x0: {  	(tag) =	ssettag $0x1  }
0x1: {  	s5 =	rddreg [dreg:$0x0]  }
0x2: {  	s12 =	rddreg [dreg:$0x1]  }
0x3: {  	s13 =	rddreg [dreg:$0x2]  }
0x4: {  	s1 =	rddreg [dreg:$0x3];
	s2 =	srdreg.scid  }
0x5: {  	s0 =	rddreg [dreg:$0x4];
	s3 =	simm.s32 $0x0;
	s17 =	simm.s32 $0x3  }
0x6: {  	s18 =	simm.s32 $0x1400;
	s19 =	simm.s32 $0x80;
	s20 =	simm.s32 $0x6800  }
0x7: {  	s21 =	simm.s32 $0x1;
	s22 =	simm.s32 $0x2;
	s6 =	sand.u32 $0x1, s2  }
0x8: {  	s23 =	simm.s32 $0x2700;
	s2 =	stileid.u32;
	s7 =	smul.u32 $0x13C000, s6  }
0x9: {  	s24 =	simm.s32 $0x2780;
	[smem:$0x7FF] =	sst s3;
	s8 =	smul.u32 $0x13C00, s2  }
0xa: {  	s31 =	sshll.u32 s6, $0x4;
	s9 =	smul.u32 $0x4F000, s2;
	s6 =	ssub.s32 $0x2, s6  }
0xb: {  	s4 =	sadd.s32 $0x3000, s5;
	_ =	strace $0x80000047;
	s10 =	sshrl.u32 s6, $0x1  }
0xc: {  	s7 =	sadd.s32 s8, s7;
	s8 =	sor.u32 s2, s31;
	s9 =	sshrl.u32 s9, $0x2  }
0xd: {  	s15 =	ssub.s32 s6, s10;
	s7 =	sshrl.u32 s7, $0x3;
	s8 =	smul.u32 $0x2800, s8  }
0xe: {  	s15 =	smax.u32 s15, $0x1;
	s14 =	sadd.s32 s7, s5;
	s5 =	sadd.s32 s9, s1  }
0xf: {  	s6 =	sadd.s32 $0x4000, s5;
	s7 =	sadd.s32 $0x8000, s5;
	s11 =	sshrl.u32 s8, $0x3  }
0x10: {  	s8 =	sadd.s32 $0xC000, s5;
	s9 =	sadd.s32 $0x10000, s5;
	s14 =	sadd.s32 $0x13B800, s14  }
0x11: {  	s16 =	sadd.s32 $0x280, s11;
	s10 =	sadd.s32 s12, s11;
	s11 =	sadd.s32 s13, s11  }
0x12: {  	v0 =	vimm.f32 $0.0e+00;
	s12 =	sadd.s32 s12, s16;
	s13 =	sadd.s32 s13, s16;
	s16 =	simm.s32 $0x2800  }
.LBB2_1:
0x13: {  	s25 =	simm.s32 $0x0;
	s26 =	simm.s32 $0x200  }
.LBB2_2:
0x14: {  	p0 =	sne.s32 s26, $0xFE00;
	[tilespmem:s25+$0x2870] =	vst v0  }
0x15: {  	[tilespmem:s25+$0x2800] =	vst v0  }
0x16: {  	[tilespmem:s25+$0x2810] =	vst v0  }
.Ltmp0:
0x17: {  	[tilespmem:s25+$0x2820] =	vst v0;
	(pc) =	sbr.rel @p0 .LBB2_2-.Ltmp0, $4  }
0x18: {  	[tilespmem:s25+$0x2830] =	vst v0  }
0x19: {  	[tilespmem:s25+$0x2840] =	vst v0  }
0x1a: {  	[tilespmem:s25+$0x2850] =	vst v0  }
0x1b: {  	[tilespmem:s25+$0x2860] =	vst v0;
	s25 =	sshra.s32 s26, $0x2;
	s26 =	sadd.s32 $0x200, s26  }
0x1c: {  	[tilespmem:s25+$0x2870] =	vst v0  }
0x1d: {  	[tilespmem:s25+$0x2800] =	vst v0  }
0x1e: {  	[tilespmem:s25+$0x2810] =	vst v0  }
0x1f: {  	[tilespmem:s25+$0x2820] =	vst v0  }
0x20: {  	[tilespmem:s25+$0x2830] =	vst v0  }
0x21: {  	[tilespmem:s25+$0x2840] =	vst v0  }
0x22: {  	[tilespmem:s25+$0x2850] =	vst v0  }
0x23: {  	[tilespmem:s25+$0x2860] =	vst v0  }
0x24: {  	[spmem:s5] =	stream.linear.scatter [tilespmem:s16], [sflag:$0x3], $0x4000, $0x38;
	[tilespmem:$0x1E400] =	vst v63  }
0x25: {  	_ =	swait.ge [sflag:s17], $0x4000  }
0x26: {  	[sflag:s17] =	ssyncset.done $0x0  }
0x27: {  	[sflag:s17] =	ssyncadd.s32 $0xFFFFC000  }
0x28: {  	[spmem:s6] =	stream.linear.scatter [tilespmem:s16], [sflag:$0x3], $0x4000, $0x38;
	[tilespmem:$0x1E400] =	vst v63  }
0x29: {  	_ =	swait.ge [sflag:s17], $0x4000  }
0x2a: {  	[sflag:s17] =	ssyncset.done $0x0  }
0x2b: {  	[sflag:s17] =	ssyncadd.s32 $0xFFFFC000  }
0x2c: {  	[spmem:s7] =	stream.linear.scatter [tilespmem:s16], [sflag:$0x3], $0x4000, $0x38;
	[tilespmem:$0x1E400] =	vst v63  }
0x2d: {  	_ =	swait.ge [sflag:s17], $0x4000  }
0x2e: {  	[sflag:s17] =	ssyncset.done $0x0  }
0x2f: {  	[sflag:s17] =	ssyncadd.s32 $0xFFFFC000  }
0x30: {  	[spmem:s8] =	stream.linear.scatter [tilespmem:s16], [sflag:$0x3], $0x4000, $0x38;
	[tilespmem:$0x1E400] =	vst v63  }
0x31: {  	_ =	swait.ge [sflag:s17], $0x4000  }
0x32: {  	[sflag:s17] =	ssyncset.done $0x0  }
0x33: {  	[sflag:s17] =	ssyncadd.s32 $0xFFFFC000  }
0x34: {  	[spmem:s9] =	stream.linear.scatter [tilespmem:s16], [sflag:$0x3], $0x3C00, $0x38;
	[tilespmem:$0x1E400] =	vst v63  }
0x35: {  	_ =	swait.ge [sflag:s17], $0x3C00  }
0x36: {  	[sflag:s17] =	ssyncset.done $0x0  }
0x37: {  	[sflag:s17] =	ssyncadd.s32 $0xFFFFC400  }
0x38: {  	s28 =	simm.s32 $0x0;
	[bflag:$0x0] =	sbarrier.arrive $0xFFFF  }
0x39: {  	[tilespmem:s28], [sflag:$0x3] =	stream.linear.gather [hbm4b:s10+s28], $0x1400, $0x38;
	[tilespmem:$0x1E400] =	vst v63  }
0x3a: {  	_ =	swait.ge [sflag:s17], $0x1400  }
0x3b: {  	[sflag:s17] =	ssyncset.done $0x0  }
0x3c: {  	[sflag:s17] =	ssyncadd.s32 $0xFFFFEC00  }
0x3d: {  	[tilespmem:s18], [sflag:$0x3] =	stream.linear.gather [hbm4b:s11+s28], $0x1400, $0x38;
	[tilespmem:$0x1E400] =	vst v63  }
0x3e: {  	_ =	swait.ge [sflag:s17], $0x1400  }
0x3f: {  	[sflag:s17] =	ssyncset.done $0x0  }
0x40: {  	[sflag:s17] =	ssyncadd.s32 $0xFFFFEC00  }
0x41: {  	[tilespmem:s16], [sflag:$0x1] =	stream.indirect.gather [hbm4b:s4+s19], $0x80, s28, s19, $0xb8;
	[tilespmem:$0x1E400] =	vst v63  }
0x42: {  	_ = 	snop  }
0x43: {  	[tilespmem:s20], [sflag:$0x2] =	stream.indirect.gather [hbm4b:s4+s19], $0x80, s19, s19, $0xb8;
	[tilespmem:$0x1E400] =	vst v63  }
0x44: {  	_ =	swait.ge [sflag:s21], $0x4000  }
0x45: {  	[sflag:s21] =	ssyncset.done $0x0  }
0x46: {  	s29 =	simm.s32 $0x1400;
	[sflag:s21] =	ssyncadd.s32 $0xFFFFC000  }
0x47: {  	[spmem:s1] =	stream.indirect.scatter.add.f32 [tilespmem:s16], [sflag:$0x3], $0x80, s29, s19, $0xb8;
	[tilespmem:$0x1E400] =	vst v63  }
0x48: {  	_ =	swait.ge [sflag:s17], $0x4000  }
0x49: {  	[sflag:s17] =	ssyncset.done $0x0  }
0x4a: {  	s30 =	simm.s32 $0x100;
	[sflag:s17] =	ssyncadd.s32 $0xFFFFC000  }
0x4b: {  	[tilespmem:s16], [sflag:$0x1] =	stream.indirect.gather [hbm4b:s4+s19], $0x80, s30, s19, $0xb8;
	[tilespmem:$0x1E400] =	vst v63  }
0x4c: {  	_ =	swait.ge [sflag:s22], $0x4000  }
0x4d: {  	[sflag:s22] =	ssyncset.done $0x0  }
0x4e: {  	s31 =	simm.s32 $0x1480;
	[sflag:s22] =	ssyncadd.s32 $0xFFFFC000  }
0x4f: {  	[spmem:s1] =	stream.indirect.scatter.add.f32 [tilespmem:s20], [sflag:$0x3], $0x80, s31, s19, $0xb8;
	[tilespmem:$0x1E400] =	vst v63  }
0x50: {  	_ =	swait.ge [sflag:s17], $0x4000  }
0x51: {  	[sflag:s17] =	ssyncset.done $0x0  }
0x52: {  	s25 =	simm.s32 $0x400;
	s26 =	simm.s32 $0x180;
	[sflag:s17] =	ssyncadd.s32 $0xFFFFC000  }
.LBB2_4:
0x53: {  	[tilespmem:s20], [sflag:$0x2] =	stream.indirect.gather [hbm4b:s4+s19], $0x80, s26, s19, $0xb8;
	[tilespmem:$0x1E400] =	vst v63  }
0x54: {  	s26 =	smov.u32 s25  }
0x55: {  	p0 =	sne.s32 s25, $0x4800;
	s25 =	sadd.s32 $0x400, s25;
	_ =	swait.ge [sflag:s21], $0x4000  }
0x56: {  	s26 =	sshra.s32 s26, $0x2;
	[sflag:s21] =	ssyncset.done $0x0  }
0x57: {  	s28 =	sadd.s32 $0x1400, s26;
	[sflag:s21] =	ssyncadd.s32 $0xFFFFC000  }
0x58: {  	[spmem:s1] =	stream.indirect.scatter.add.f32 [tilespmem:s16], [sflag:$0x3], $0x80, s28, s19, $0xb8;
	[tilespmem:$0x1E400] =	vst v63  }
0x59: {  	_ =	swait.ge [sflag:s17], $0x4000  }
0x5a: {  	[sflag:s17] =	ssyncset.done $0x0  }
0x5b: {  	s28 =	sadd.s32 $0x100, s26;
	[sflag:s17] =	ssyncadd.s32 $0xFFFFC000  }
0x5c: {  	[tilespmem:s16], [sflag:$0x1] =	stream.indirect.gather [hbm4b:s4+s19], $0x80, s28, s19, $0xb8;
	[tilespmem:$0x1E400] =	vst v63  }
0x5d: {  	_ =	swait.ge [sflag:s22], $0x4000  }
0x5e: {  	[sflag:s22] =	ssyncset.done $0x0  }
.Ltmp1:
0x5f: {  	s28 =	sadd.s32 $0x1480, s26;
	[sflag:s22] =	ssyncadd.s32 $0xFFFFC000;
	(pc) =	sbr.rel @p0 .LBB2_4-.Ltmp1, $4  }
0x60: {  	[spmem:s1] =	stream.indirect.scatter.add.f32 [tilespmem:s20], [sflag:$0x3], $0x80, s28, s19, $0xb8;
	[tilespmem:$0x1E400] =	vst v63  }
0x61: {  	_ =	swait.ge [sflag:s17], $0x4000  }
0x62: {  	[sflag:s17] =	ssyncset.done $0x0  }
0x63: {  	s26 =	sadd.s32 $0x180, s26;
	[sflag:s17] =	ssyncadd.s32 $0xFFFFC000  }
0x64: {  	[tilespmem:s20], [sflag:$0x2] =	stream.indirect.gather [hbm4b:s4+s19], $0x80, s26, s19, $0xb8;
	[tilespmem:$0x1E400] =	vst v63  }
0x65: {  	_ =	swait.ge [sflag:s21], $0x4000  }
0x66: {  	[sflag:s21] =	ssyncset.done $0x0  }
0x67: {  	[sflag:s21] =	ssyncadd.s32 $0xFFFFC000  }
0x68: {  	[spmem:s1] =	stream.indirect.scatter.add.f32 [tilespmem:s16], [sflag:$0x3], $0x80, s23, s19, $0xb8;
	[tilespmem:$0x1E400] =	vst v63  }
0x69: {  	_ =	swait.ge [sflag:s17], $0x4000  }
0x6a: {  	[sflag:s17] =	ssyncset.done $0x0  }
0x6b: {  	[sflag:s17] =	ssyncadd.s32 $0xFFFFC000  }
0x6c: {  	_ =	swait.ge [sflag:s22], $0x4000  }
0x6d: {  	[sflag:s22] =	ssyncset.done $0x0  }
0x6e: {  	[sflag:s22] =	ssyncadd.s32 $0xFFFFC000  }
0x6f: {  	[spmem:s1] =	stream.indirect.scatter.add.f32 [tilespmem:s20], [sflag:$0x3], $0x80, s24, s19, $0xb8;
	[tilespmem:$0x1E400] =	vst v63  }
0x70: {  	_ =	swait.ge [sflag:s17], $0x4000  }
0x71: {  	[sflag:s17] =	ssyncset.done $0x0  }
0x72: {  	s25 =	simm.s32 $0x0;
	[sflag:s17] =	ssyncadd.s32 $0xFFFFC000  }
0x73: {  	[tilespmem:s25], [sflag:$0x3] =	stream.linear.gather [hbm4b:s12+s25], $0x1400, $0x38;
	[tilespmem:$0x1E400] =	vst v63  }
0x74: {  	_ =	swait.ge [sflag:s17], $0x1400  }
0x75: {  	[sflag:s17] =	ssyncset.done $0x0  }
0x76: {  	[sflag:s17] =	ssyncadd.s32 $0xFFFFEC00  }
0x77: {  	[tilespmem:s18], [sflag:$0x3] =	stream.linear.gather [hbm4b:s13+s25], $0x1400, $0x38;
	[tilespmem:$0x1E400] =	vst v63  }
0x78: {  	_ =	swait.ge [sflag:s17], $0x1400  }
0x79: {  	[sflag:s17] =	ssyncset.done $0x0  }
0x7a: {  	[sflag:s17] =	ssyncadd.s32 $0xFFFFEC00  }
0x7b: {  	[tilespmem:s16], [sflag:$0x1] =	stream.indirect.gather [hbm4b:s4+s19], $0x80, s25, s19, $0xb8;
	[tilespmem:$0x1E400] =	vst v63  }
0x7c: {  	_ = 	snop  }
0x7d: {  	[tilespmem:s20], [sflag:$0x2] =	stream.indirect.gather [hbm4b:s4+s19], $0x80, s19, s19, $0xb8;
	[tilespmem:$0x1E400] =	vst v63  }
0x7e: {  	_ =	swait.ge [sflag:s21], $0x4000  }
0x7f: {  	[sflag:s21] =	ssyncset.done $0x0  }
0x80: {  	s29 =	simm.s32 $0x1400;
	[sflag:s21] =	ssyncadd.s32 $0xFFFFC000  }
0x81: {  	[spmem:s1] =	stream.indirect.scatter.add.f32 [tilespmem:s16], [sflag:$0x3], $0x80, s29, s19, $0xb8;
	[tilespmem:$0x1E400] =	vst v63  }
0x82: {  	_ =	swait.ge [sflag:s17], $0x4000  }
0x83: {  	[sflag:s17] =	ssyncset.done $0x0  }
0x84: {  	s30 =	simm.s32 $0x100;
	[sflag:s17] =	ssyncadd.s32 $0xFFFFC000  }
0x85: {  	[tilespmem:s16], [sflag:$0x1] =	stream.indirect.gather [hbm4b:s4+s19], $0x80, s30, s19, $0xb8;
	[tilespmem:$0x1E400] =	vst v63  }
0x86: {  	_ =	swait.ge [sflag:s22], $0x4000  }
0x87: {  	[sflag:s22] =	ssyncset.done $0x0  }
0x88: {  	s31 =	simm.s32 $0x1480;
	[sflag:s22] =	ssyncadd.s32 $0xFFFFC000  }
0x89: {  	[spmem:s1] =	stream.indirect.scatter.add.f32 [tilespmem:s20], [sflag:$0x3], $0x80, s31, s19, $0xb8;
	[tilespmem:$0x1E400] =	vst v63  }
0x8a: {  	_ =	swait.ge [sflag:s17], $0x4000  }
0x8b: {  	[sflag:s17] =	ssyncset.done $0x0  }
0x8c: {  	s26 =	simm.s32 $0x180;
	s25 =	simm.s32 $0x400;
	[sflag:s17] =	ssyncadd.s32 $0xFFFFC000  }
.LBB2_6:
0x8d: {  	[tilespmem:s20], [sflag:$0x2] =	stream.indirect.gather [hbm4b:s4+s19], $0x80, s26, s19, $0xb8;
	[tilespmem:$0x1E400] =	vst v63  }
0x8e: {  	s26 =	smov.u32 s25  }
0x8f: {  	p0 =	sne.s32 s25, $0x4800;
	s25 =	sadd.s32 $0x400, s25;
	_ =	swait.ge [sflag:s21], $0x4000  }
0x90: {  	s26 =	sshra.s32 s26, $0x2;
	[sflag:s21] =	ssyncset.done $0x0  }
0x91: {  	s28 =	sadd.s32 $0x1400, s26;
	[sflag:s21] =	ssyncadd.s32 $0xFFFFC000  }
0x92: {  	[spmem:s1] =	stream.indirect.scatter.add.f32 [tilespmem:s16], [sflag:$0x3], $0x80, s28, s19, $0xb8;
	[tilespmem:$0x1E400] =	vst v63  }
0x93: {  	_ =	swait.ge [sflag:s17], $0x4000  }
0x94: {  	[sflag:s17] =	ssyncset.done $0x0  }
0x95: {  	s28 =	sadd.s32 $0x100, s26;
	[sflag:s17] =	ssyncadd.s32 $0xFFFFC000  }
0x96: {  	[tilespmem:s16], [sflag:$0x1] =	stream.indirect.gather [hbm4b:s4+s19], $0x80, s28, s19, $0xb8;
	[tilespmem:$0x1E400] =	vst v63  }
0x97: {  	_ =	swait.ge [sflag:s22], $0x4000  }
0x98: {  	[sflag:s22] =	ssyncset.done $0x0  }
.Ltmp2:
0x99: {  	s28 =	sadd.s32 $0x1480, s26;
	[sflag:s22] =	ssyncadd.s32 $0xFFFFC000;
	(pc) =	sbr.rel @p0 .LBB2_6-.Ltmp2, $4  }
0x9a: {  	[spmem:s1] =	stream.indirect.scatter.add.f32 [tilespmem:s20], [sflag:$0x3], $0x80, s28, s19, $0xb8;
	[tilespmem:$0x1E400] =	vst v63  }
0x9b: {  	_ =	swait.ge [sflag:s17], $0x4000  }
0x9c: {  	[sflag:s17] =	ssyncset.done $0x0  }
0x9d: {  	s26 =	sadd.s32 $0x180, s26;
	[sflag:s17] =	ssyncadd.s32 $0xFFFFC000  }
0x9e: {  	[tilespmem:s20], [sflag:$0x2] =	stream.indirect.gather [hbm4b:s4+s19], $0x80, s26, s19, $0xb8;
	[tilespmem:$0x1E400] =	vst v63  }
0x9f: {  	_ =	swait.ge [sflag:s21], $0x4000  }
0xa0: {  	[sflag:s21] =	ssyncset.done $0x0  }
0xa1: {  	[sflag:s21] =	ssyncadd.s32 $0xFFFFC000  }
0xa2: {  	[spmem:s1] =	stream.indirect.scatter.add.f32 [tilespmem:s16], [sflag:$0x3], $0x80, s23, s19, $0xb8;
	[tilespmem:$0x1E400] =	vst v63  }
0xa3: {  	_ =	swait.ge [sflag:s17], $0x4000  }
0xa4: {  	[sflag:s17] =	ssyncset.done $0x0  }
0xa5: {  	[sflag:s17] =	ssyncadd.s32 $0xFFFFC000  }
0xa6: {  	_ =	swait.ge [sflag:s22], $0x4000  }
0xa7: {  	[sflag:s22] =	ssyncset.done $0x0  }
0xa8: {  	[sflag:s22] =	ssyncadd.s32 $0xFFFFC000  }
0xa9: {  	[spmem:s1] =	stream.indirect.scatter.add.f32 [tilespmem:s20], [sflag:$0x3], $0x80, s24, s19, $0xb8;
	[tilespmem:$0x1E400] =	vst v63  }
0xaa: {  	_ =	swait.ge [sflag:s17], $0x4000  }
0xab: {  	s25 =	sshll.u32 s2, $0x6;
	s3 =	sadd.s32 $0x1, s3;
	[sflag:s17] =	ssyncset.done $0x0  }
0xac: {  	s31 =	sshrl.u32 s5, $0x3;
	p0 =	sne.s32 s3, s15;
	[sflag:s17] =	ssyncadd.s32 $0xFFFFC000  }
.Ltmp3:
0xad: {  	s25 =	sor.u32 $0x1C03, s25;
	[bflag:$0x0] =	sbarrier.arrive $0xFFFF;
	(pc) =	sbr.rel @p0 .LBB2_1-.Ltmp3, $4  }
0xae: {  	[hbm:s14], [sflag:s25] =	dma.local [spmem:s31], $0x2780  }
0xaf: {  	_ =	swait.ge [sflag:s17], $0x2780  }
0xb0: {  	[sflag:s17] =	ssyncset.done $0x0  }
0xb1: {  	[sflag:s17] =	ssyncadd.s32 $0xFFFFD880  }
0xb2: {  	_ =	sfence.sel $0x180000  }
0xb3: {  	[bflag:$0x0] =	sbarrier.arrive $0xFFFF  }
0xb4: {  	p0 =	sne.s32 s2, $0x0;
	_ =	strace $0x90000047  }
0xb5: {  	s0 =	sadd.s32 @!p0 $0x100000, s0;
	[bflag:$0x2] =	sbarrier.arrive $0xFFFF  }
0xb6: {  	[sflag:s0] =	ssyncadd.tile.s32 @!p0 $0x1;
	_ =	shalt  }
.Lfunc_end2:
_tile_overlayer_lowered:
.L_overlay_start_2:
0xb7: {  	(tag) =	ssettag $0x2  }
0xb8: {  	s0 =	rddreg [dreg:$0x0];
	s2 =	stileid.u32  }
0xb9: {  	s1 =	rddreg [dreg:$0x1];
	p0 =	sne.s32 s2, $0x0  }
0xba: {  	s3 =	rddreg [dreg:$0x2];
	[bflag:$0x3] =	sbarrier.arrive $0xFFFF;
	s2 =	simm.s32 @!p0 $0x1C03  }
0xbb: {  	[timem:s3], [sflag:s2] =	dma.local @!p0 [hbm:s0], s1  }
0xbc: {  	s0 =	simm.s32 @!p0 $0x3  }
0xbd: {  	_ =	swait.ge @!p0 [sflag:s0], s1  }
0xbe: {  	s1 =	ssub.s32 @!p0 $0x0, s1;
	[sflag:s0] =	ssyncset.done @!p0 $0x0  }
0xbf: {  	[sflag:s0] =	ssyncadd.s32 @!p0 s1  }
0xc0: {  	[bflag:$0x3] =	sbarrier.arrive $0xFFFF  }
0xc1: {  	_ =	shalt  }

</sc_bundles>
